<compile_context>
chip_gen: v7x
topology: tpu7x:2x2x1
jax: 0.10.2.dev20260603
libtpu: 0.0.44.dev20260713+nightly
codegen_flags: <defaults>
</compile_context>

<pallas_src>
import functools

import jax
import jax.numpy as jnp
from jax import lax
from jax.experimental import pallas as pl
from jax.experimental.pallas import tpu as pltpu
from jax.experimental.pallas import tpu_sc as plsc

DIM = 128
NC = 2
NS = 16
NW = NC * NS
CH = 64
GPB = 1
NB = 14


def _body(nch, idx_hbm, table_hbm, out_hbm, idx_v, rows_v, gsem, osem):
    wid = lax.axis_index("s") * NC + lax.axis_index("c")
    base = wid * (nch * GPB * CH)
    pltpu.sync_copy(idx_hbm.at[wid], idx_v)

    def gathers(j, b):
        for g in range(GPB):
            pltpu.make_async_copy(
                table_hbm.at[idx_v.at[j * GPB + g]],
                rows_v.at[b].at[pl.ds(g * CH, CH)],
                gsem.at[b],
            ).start()

    def gather_waits(j, b):
        for g in range(GPB):
            pltpu.make_async_copy(
                table_hbm.at[idx_v.at[j * GPB + g]],
                rows_v.at[b].at[pl.ds(g * CH, CH)],
                gsem.at[b],
            ).wait()

    def outcopy(j, b):
        return pltpu.make_async_copy(
            rows_v.at[b],
            out_hbm.at[pl.ds(base + j * (GPB * CH), GPB * CH)],
            osem.at[b],
        )

    for b in range(NB):
        gathers(b, b)

    def step(j, carry):
        b = lax.rem(j, NB)
        gather_waits(j, b)
        outcopy(j, b).start()

        @pl.when(j + NB < nch)
        def _():
            outcopy(j, b).wait()
            gathers(j + NB, b)

        return carry

    lax.fori_loop(0, nch, step, 0)
    for i in range(NB):
        j = nch - NB + i
        outcopy(j, lax.rem(jnp.int32(j), NB)).wait()


def kernel(indices, table):
    batch, hist = indices.shape
    n = batch * hist
    assert n % (NW * GPB * CH) == 0
    nch = n // (NW * GPB * CH)
    assert nch >= NB
    idx = jnp.transpose(indices).reshape(NW, nch * GPB, CH).astype(jnp.int32)

    mesh = plsc.VectorSubcoreMesh(core_axis_name="c", subcore_axis_name="s")
    k = functools.partial(
        pl.kernel,
        mesh=mesh,
        out_type=jax.ShapeDtypeStruct((n, DIM), jnp.float32),
        scratch_types=[
            pltpu.VMEM((nch * GPB, CH), jnp.int32),
            pltpu.VMEM((NB, GPB * CH, DIM), jnp.float32),
            pltpu.SemaphoreType.DMA((NB,)),
            pltpu.SemaphoreType.DMA((NB,)),
        ],
    )(functools.partial(_body, nch))
    out = k(idx, table)
    return jnp.transpose(out.reshape(hist, batch, DIM), (1, 0, 2))

# --- scband reference (transcript-rebuilt; emitter-appended) ---
"""Pipeline reference for scband-sharded-embedding-86741159510138 (READ-ONLY COPY).

The authoritative reference and input builder live on the scoring server;
editing this copy changes nothing except your own understanding.
"""

import jax, jax.numpy as jnp
import numpy as np

VOCAB = 100000
DIM = 128
BATCH = 4096
HIST = 50


def setup_inputs(seed: int = 0) -> dict:
    key = jax.random.key(seed)
    k_idx, k_tab = jax.random.split(key)
    # KeyedJaggedTensor values for one feature ('sparse_ids'); modeled as a dense
    # [batch, hist_len] id tensor (uniform length per sample).
    indices = jax.random.randint(k_idx, (BATCH, HIST), 0, VOCAB, dtype=jnp.int64)
    # Embedding table parameter (normal init, as in torchrec EmbeddingConfig init_fn).
    table = jax.random.normal(k_tab, (VOCAB, DIM), dtype=jnp.float32) * 0.01
    return {"indices": indices, "table": table}


def reference(indices, table):
    # ShardedEmbedding.forward: EmbeddingCollection lookup returning jagged
    # per-feature embeddings; with uniform lengths this is a plain gather.
    # Dict[str, JaggedTensor] -> we return the single feature's values tensor
    # of shape [batch, hist_len, dim].
    out = jnp.take(table, indices, axis=0)
    return out

if __name__ == "__main__":
    import jax
    _d = setup_inputs()
    print(jax.jit(kernel)(*tuple(_d.values())))

</pallas_src>

<mosaic_0001>
#map = affine_map<(d0, d1) -> (0, 0, 0)>
#map1 = affine_map<(d0, d1) -> (0, 0)>
module attributes {stable_mosaic.version = 14 : i64} {
  func.func @_body(%arg0: i32, %arg1: i32, %arg2: memref<32x100x64xi32, #tpu.memory_space<hbm>>, %arg3: memref<100000x128xf32, #tpu.memory_space<hbm>>, %arg4: memref<204800x128xf32, #tpu.memory_space<hbm>>, %arg5: memref<100x64xi32, #tpu.memory_space<vmem>>, %arg6: memref<14x64x128xf32, #tpu.memory_space<vmem>>, %arg7: memref<14x!tpu.dma_semaphore, #tpu.memory_space<semaphore_mem>>, %arg8: memref<14x!tpu.dma_semaphore, #tpu.memory_space<semaphore_mem>>) attributes {dimension_semantics = [#tpu.dimension_semantics<core_parallel>, #tpu.dimension_semantics<subcore_parallel>], iteration_bounds = array<i64: 2, 16>, scalar_prefetch = 0 : i64, scratch_operands = 4 : i64, tpu.core_type = #tpu.core_type<sc_vector_subcore>, window_params = [{transform_indices = #map}, {transform_indices = #map1}, {transform_indices = #map1}]} {
    %mul3A = arith.constant 2 : i32
    %mul3A_0 = arith.muli %arg1, %mul3A : i32
    %add3A = arith.addi %mul3A_0, %arg0 : i32
    %mul3A_1 = arith.constant 6400 : i32
    %mul3A_2 = arith.muli %add3A, %mul3A_1 : i32
    "tpu.region"() ({
      %run_scoped3A = tpu.sem_alloc : memref<!tpu.dma_semaphore, #tpu.memory_space<semaphore_mem>>
      %dma_start3A_523 = arith.constant 0 : i32
      %dma_start3A_524 = arith.constant 0 : i32
      %dma_start3A_525 = tpu.memref_slice %arg2[%add3A, %dma_start3A_523, %dma_start3A_524] : memref<32x100x64xi32, #tpu.memory_space<hbm>> -> memref<1x100x64xi32, #tpu.memory_space<hbm>>
      %dma_start3A_526 = tpu.memref_squeeze %dma_start3A_525 : memref<1x100x64xi32, #tpu.memory_space<hbm>> -> memref<100x64xi32, #tpu.memory_space<hbm>>
      %dma_start3A_527 = arith.constant 0 : i32
      %dma_start3A_528 = arith.constant 0 : i32
      %dma_start3A_529 = tpu.memref_slice %arg2[%add3A, %dma_start3A_527, %dma_start3A_528] : memref<32x100x64xi32, #tpu.memory_space<hbm>> -> memref<1x100x64xi32, #tpu.memory_space<hbm>>
      %dma_start3A_530 = tpu.memref_squeeze %dma_start3A_529 : memref<1x100x64xi32, #tpu.memory_space<hbm>> -> memref<100x64xi32, #tpu.memory_space<hbm>>
      tpu.enqueue_dma source(%dma_start3A_530 : memref<100x64xi32, #tpu.memory_space<hbm>>) target(%arg5 : memref<100x64xi32, #tpu.memory_space<vmem>>) target_semaphore(%run_scoped3A : memref<!tpu.dma_semaphore, #tpu.memory_space<semaphore_mem>>)
      %dma_wait3A_531 = arith.constant 0 : i32
      %dma_wait3A_532 = arith.constant 0 : i32
      %dma_wait3A_533 = tpu.memref_slice %arg2[%add3A, %dma_wait3A_531, %dma_wait3A_532] : memref<32x100x64xi32, #tpu.memory_space<hbm>> -> memref<1x100x64xi32, #tpu.memory_space<hbm>>
      %dma_wait3A_534 = tpu.memref_squeeze %dma_wait3A_533 : memref<1x100x64xi32, #tpu.memory_space<hbm>> -> memref<100x64xi32, #tpu.memory_space<hbm>>
      %dma_wait3A_535 = arith.constant 0 : i32
      %dma_wait3A_536 = arith.constant 0 : i32
      %dma_wait3A_537 = tpu.memref_slice %arg2[%add3A, %dma_wait3A_535, %dma_wait3A_536] : memref<32x100x64xi32, #tpu.memory_space<hbm>> -> memref<1x100x64xi32, #tpu.memory_space<hbm>>
      %dma_wait3A_538 = tpu.memref_squeeze %dma_wait3A_537 : memref<1x100x64xi32, #tpu.memory_space<hbm>> -> memref<100x64xi32, #tpu.memory_space<hbm>>
      tpu.wait_dma2 semaphore(%run_scoped3A : memref<!tpu.dma_semaphore, #tpu.memory_space<semaphore_mem>>) src(%dma_wait3A_538 : memref<100x64xi32, #tpu.memory_space<hbm>>) dst(%arg5 : memref<100x64xi32, #tpu.memory_space<vmem>>)
      tpu.yield
    }) : () -> ()
    %dma_start3A = arith.constant 0 : i32
    %dma_start3A_3 = arith.constant 0 : i32
    %dma_start3A_4 = arith.constant 0 : i32
    %dma_start3A_5 = arith.constant 0 : i32
    %dma_start3A_6 = arith.constant 0 : i32
    %dma_start3A_7 = tpu.memref_slice %arg6[%dma_start3A_3, %dma_start3A_5, %dma_start3A_6] : memref<14x64x128xf32, #tpu.memory_space<vmem>> -> memref<1x64x128xf32, #tpu.memory_space<vmem>>
    %dma_start3A_8 = tpu.memref_squeeze %dma_start3A_7 : memref<1x64x128xf32, #tpu.memory_space<vmem>> -> memref<64x128xf32, #tpu.memory_space<vmem>>
    %dma_start3A_9 = arith.constant 0 : i32
    %dma_start3A_10 = arith.constant 0 : i32
    %dma_start3A_11 = tpu.memref_slice %dma_start3A_8[%dma_start3A_9, %dma_start3A_10] : memref<64x128xf32, #tpu.memory_space<vmem>> -> memref<64x128xf32, #tpu.memory_space<vmem>>
    %dma_start3A_12 = arith.constant 0 : i32
    %dma_start3A_13 = tpu.memref_slice %arg5[%dma_start3A, %dma_start3A_12] : memref<100x64xi32, #tpu.memory_space<vmem>> -> memref<1x64xi32, #tpu.memory_space<vmem>>
    %dma_start3A_14 = tpu.memref_squeeze %dma_start3A_13 : memref<1x64xi32, #tpu.memory_space<vmem>> -> memref<64xi32, #tpu.memory_space<vmem>>
    %dma_start3A_15 = arith.constant 0 : i32
    %dma_start3A_16 = arith.constant 0 : i32
    %dma_start3A_17 = tpu.memref_slice %arg3[%dma_start3A_15, %dma_start3A_16] : memref<100000x128xf32, #tpu.memory_space<hbm>> -> memref<100000x128xf32, #tpu.memory_space<hbm>>
    %dma_start3A_18 = tpu.memref_slice %arg7[%dma_start3A_4] : memref<14x!tpu.dma_semaphore, #tpu.memory_space<semaphore_mem>> -> memref<1x!tpu.dma_semaphore, #tpu.memory_space<semaphore_mem>>
    %dma_start3A_19 = tpu.memref_squeeze %dma_start3A_18 : memref<1x!tpu.dma_semaphore, #tpu.memory_space<semaphore_mem>> -> memref<!tpu.dma_semaphore, #tpu.memory_space<semaphore_mem>>
    tpu.enqueue_indirect_dma source(%dma_start3A_17 : memref<100000x128xf32, #tpu.memory_space<hbm>>) target(%dma_start3A_11 : memref<64x128xf32, #tpu.memory_space<vmem>>) offsets(%dma_start3A_14 : memref<64xi32, #tpu.memory_space<vmem>>) semaphore(%dma_start3A_19 : memref<!tpu.dma_semaphore, #tpu.memory_space<semaphore_mem>>)
    %dma_start3A_20 = arith.constant 1 : i32
    %dma_start3A_21 = arith.constant 1 : i32
    %dma_start3A_22 = arith.constant 1 : i32
    %dma_start3A_23 = arith.constant 0 : i32
    %dma_start3A_24 = arith.constant 0 : i32
    %dma_start3A_25 = tpu.memref_slice %arg6[%dma_start3A_21, %dma_start3A_23, %dma_start3A_24] : memref<14x64x128xf32, #tpu.memory_space<vmem>> -> memref<1x64x128xf32, #tpu.memory_space<vmem>>
    %dma_start3A_26 = tpu.memref_squeeze %dma_start3A_25 : memref<1x64x128xf32, #tpu.memory_space<vmem>> -> memref<64x128xf32, #tpu.memory_space<vmem>>
    %dma_start3A_27 = arith.constant 0 : i32
    %dma_start3A_28 = arith.constant 0 : i32
    %dma_start3A_29 = tpu.memref_slice %dma_start3A_26[%dma_start3A_27, %dma_start3A_28] : memref<64x128xf32, #tpu.memory_space<vmem>> -> memref<64x128xf32, #tpu.memory_space<vmem>>
    %dma_start3A_30 = arith.constant 0 : i32
    %dma_start3A_31 = tpu.memref_slice %arg5[%dma_start3A_20, %dma_start3A_30] : memref<100x64xi32, #tpu.memory_space<vmem>> -> memref<1x64xi32, #tpu.memory_space<vmem>>
    %dma_start3A_32 = tpu.memref_squeeze %dma_start3A_31 : memref<1x64xi32, #tpu.memory_space<vmem>> -> memref<64xi32, #tpu.memory_space<vmem>>
    %dma_start3A_33 = arith.constant 0 : i32
    %dma_start3A_34 = arith.constant 0 : i32
    %dma_start3A_35 = tpu.memref_slice %arg3[%dma_start3A_33, %dma_start3A_34] : memref<100000x128xf32, #tpu.memory_space<hbm>> -> memref<100000x128xf32, #tpu.memory_space<hbm>>
    %dma_start3A_36 = tpu.memref_slice %arg7[%dma_start3A_22] : memref<14x!tpu.dma_semaphore, #tpu.memory_space<semaphore_mem>> -> memref<1x!tpu.dma_semaphore, #tpu.memory_space<semaphore_mem>>
    %dma_start3A_37 = tpu.memref_squeeze %dma_start3A_36 : memref<1x!tpu.dma_semaphore, #tpu.memory_space<semaphore_mem>> -> memref<!tpu.dma_semaphore, #tpu.memory_space<semaphore_mem>>
    tpu.enqueue_indirect_dma source(%dma_start3A_35 : memref<100000x128xf32, #tpu.memory_space<hbm>>) target(%dma_start3A_29 : memref<64x128xf32, #tpu.memory_space<vmem>>) offsets(%dma_start3A_32 : memref<64xi32, #tpu.memory_space<vmem>>) semaphore(%dma_start3A_37 : memref<!tpu.dma_semaphore, #tpu.memory_space<semaphore_mem>>)
    %dma_start3A_38 = arith.constant 2 : i32
    %dma_start3A_39 = arith.constant 2 : i32
    %dma_start3A_40 = arith.constant 2 : i32
    %dma_start3A_41 = arith.constant 0 : i32
    %dma_start3A_42 = arith.constant 0 : i32
    %dma_start3A_43 = tpu.memref_slice %arg6[%dma_start3A_39, %dma_start3A_41, %dma_start3A_42] : memref<14x64x128xf32, #tpu.memory_space<vmem>> -> memref<1x64x128xf32, #tpu.memory_space<vmem>>
    %dma_start3A_44 = tpu.memref_squeeze %dma_start3A_43 : memref<1x64x128xf32, #tpu.memory_space<vmem>> -> memref<64x128xf32, #tpu.memory_space<vmem>>
    %dma_start3A_45 = arith.constant 0 : i32
    %dma_start3A_46 = arith.constant 0 : i32
    %dma_start3A_47 = tpu.memref_slice %dma_start3A_44[%dma_start3A_45, %dma_start3A_46] : memref<64x128xf32, #tpu.memory_space<vmem>> -> memref<64x128xf32, #tpu.memory_space<vmem>>
    %dma_start3A_48 = arith.constant 0 : i32
    %dma_start3A_49 = tpu.memref_slice %arg5[%dma_start3A_38, %dma_start3A_48] : memref<100x64xi32, #tpu.memory_space<vmem>> -> memref<1x64xi32, #tpu.memory_space<vmem>>
    %dma_start3A_50 = tpu.memref_squeeze %dma_start3A_49 : memref<1x64xi32, #tpu.memory_space<vmem>> -> memref<64xi32, #tpu.memory_space<vmem>>
    %dma_start3A_51 = arith.constant 0 : i32
    %dma_start3A_52 = arith.constant 0 : i32
    %dma_start3A_53 = tpu.memref_slice %arg3[%dma_start3A_51, %dma_start3A_52] : memref<100000x128xf32, #tpu.memory_space<hbm>> -> memref<100000x128xf32, #tpu.memory_space<hbm>>
    %dma_start3A_54 = tpu.memref_slice %arg7[%dma_start3A_40] : memref<14x!tpu.dma_semaphore, #tpu.memory_space<semaphore_mem>> -> memref<1x!tpu.dma_semaphore, #tpu.memory_space<semaphore_mem>>
    %dma_start3A_55 = tpu.memref_squeeze %dma_start3A_54 : memref<1x!tpu.dma_semaphore, #tpu.memory_space<semaphore_mem>> -> memref<!tpu.dma_semaphore, #tpu.memory_space<semaphore_mem>>
    tpu.enqueue_indirect_dma source(%dma_start3A_53 : memref<100000x128xf32, #tpu.memory_space<hbm>>) target(%dma_start3A_47 : memref<64x128xf32, #tpu.memory_space<vmem>>) offsets(%dma_start3A_50 : memref<64xi32, #tpu.memory_space<vmem>>) semaphore(%dma_start3A_55 : memref<!tpu.dma_semaphore, #tpu.memory_space<semaphore_mem>>)
    %dma_start3A_56 = arith.constant 3 : i32
    %dma_start3A_57 = arith.constant 3 : i32
    %dma_start3A_58 = arith.constant 3 : i32
    %dma_start3A_59 = arith.constant 0 : i32
    %dma_start3A_60 = arith.constant 0 : i32
    %dma_start3A_61 = tpu.memref_slice %arg6[%dma_start3A_57, %dma_start3A_59, %dma_start3A_60] : memref<14x64x128xf32, #tpu.memory_space<vmem>> -> memref<1x64x128xf32, #tpu.memory_space<vmem>>
    %dma_start3A_62 = tpu.memref_squeeze %dma_start3A_61 : memref<1x64x128xf32, #tpu.memory_space<vmem>> -> memref<64x128xf32, #tpu.memory_space<vmem>>
    %dma_start3A_63 = arith.constant 0 : i32
    %dma_start3A_64 = arith.constant 0 : i32
    %dma_start3A_65 = tpu.memref_slice %dma_start3A_62[%dma_start3A_63, %dma_start3A_64] : memref<64x128xf32, #tpu.memory_space<vmem>> -> memref<64x128xf32, #tpu.memory_space<vmem>>
    %dma_start3A_66 = arith.constant 0 : i32
    %dma_start3A_67 = tpu.memref_slice %arg5[%dma_start3A_56, %dma_start3A_66] : memref<100x64xi32, #tpu.memory_space<vmem>> -> memref<1x64xi32, #tpu.memory_space<vmem>>
    %dma_start3A_68 = tpu.memref_squeeze %dma_start3A_67 : memref<1x64xi32, #tpu.memory_space<vmem>> -> memref<64xi32, #tpu.memory_space<vmem>>
    %dma_start3A_69 = arith.constant 0 : i32
    %dma_start3A_70 = arith.constant 0 : i32
    %dma_start3A_71 = tpu.memref_slice %arg3[%dma_start3A_69, %dma_start3A_70] : memref<100000x128xf32, #tpu.memory_space<hbm>> -> memref<100000x128xf32, #tpu.memory_space<hbm>>
    %dma_start3A_72 = tpu.memref_slice %arg7[%dma_start3A_58] : memref<14x!tpu.dma_semaphore, #tpu.memory_space<semaphore_mem>> -> memref<1x!tpu.dma_semaphore, #tpu.memory_space<semaphore_mem>>
    %dma_start3A_73 = tpu.memref_squeeze %dma_start3A_72 : memref<1x!tpu.dma_semaphore, #tpu.memory_space<semaphore_mem>> -> memref<!tpu.dma_semaphore, #tpu.memory_space<semaphore_mem>>
    tpu.enqueue_indirect_dma source(%dma_start3A_71 : memref<100000x128xf32, #tpu.memory_space<hbm>>) target(%dma_start3A_65 : memref<64x128xf32, #tpu.memory_space<vmem>>) offsets(%dma_start3A_68 : memref<64xi32, #tpu.memory_space<vmem>>) semaphore(%dma_start3A_73 : memref<!tpu.dma_semaphore, #tpu.memory_space<semaphore_mem>>)
    %dma_start3A_74 = arith.constant 4 : i32
    %dma_start3A_75 = arith.constant 4 : i32
    %dma_start3A_76 = arith.constant 4 : i32
    %dma_start3A_77 = arith.constant 0 : i32
    %dma_start3A_78 = arith.constant 0 : i32
    %dma_start3A_79 = tpu.memref_slice %arg6[%dma_start3A_75, %dma_start3A_77, %dma_start3A_78] : memref<14x64x128xf32, #tpu.memory_space<vmem>> -> memref<1x64x128xf32, #tpu.memory_space<vmem>>
    %dma_start3A_80 = tpu.memref_squeeze %dma_start3A_79 : memref<1x64x128xf32, #tpu.memory_space<vmem>> -> memref<64x128xf32, #tpu.memory_space<vmem>>
    %dma_start3A_81 = arith.constant 0 : i32
    %dma_start3A_82 = arith.constant 0 : i32
    %dma_start3A_83 = tpu.memref_slice %dma_start3A_80[%dma_start3A_81, %dma_start3A_82] : memref<64x128xf32, #tpu.memory_space<vmem>> -> memref<64x128xf32, #tpu.memory_space<vmem>>
    %dma_start3A_84 = arith.constant 0 : i32
    %dma_start3A_85 = tpu.memref_slice %arg5[%dma_start3A_74, %dma_start3A_84] : memref<100x64xi32, #tpu.memory_space<vmem>> -> memref<1x64xi32, #tpu.memory_space<vmem>>
    %dma_start3A_86 = tpu.memref_squeeze %dma_start3A_85 : memref<1x64xi32, #tpu.memory_space<vmem>> -> memref<64xi32, #tpu.memory_space<vmem>>
    %dma_start3A_87 = arith.constant 0 : i32
    %dma_start3A_88 = arith.constant 0 : i32
    %dma_start3A_89 = tpu.memref_slice %arg3[%dma_start3A_87, %dma_start3A_88] : memref<100000x128xf32, #tpu.memory_space<hbm>> -> memref<100000x128xf32, #tpu.memory_space<hbm>>
    %dma_start3A_90 = tpu.memref_slice %arg7[%dma_start3A_76] : memref<14x!tpu.dma_semaphore, #tpu.memory_space<semaphore_mem>> -> memref<1x!tpu.dma_semaphore, #tpu.memory_space<semaphore_mem>>
    %dma_start3A_91 = tpu.memref_squeeze %dma_start3A_90 : memref<1x!tpu.dma_semaphore, #tpu.memory_space<semaphore_mem>> -> memref<!tpu.dma_semaphore, #tpu.memory_space<semaphore_mem>>
    tpu.enqueue_indirect_dma source(%dma_start3A_89 : memref<100000x128xf32, #tpu.memory_space<hbm>>) target(%dma_start3A_83 : memref<64x128xf32, #tpu.memory_space<vmem>>) offsets(%dma_start3A_86 : memref<64xi32, #tpu.memory_space<vmem>>) semaphore(%dma_start3A_91 : memref<!tpu.dma_semaphore, #tpu.memory_space<semaphore_mem>>)
    %dma_start3A_92 = arith.constant 5 : i32
    %dma_start3A_93 = arith.constant 5 : i32
    %dma_start3A_94 = arith.constant 5 : i32
    %dma_start3A_95 = arith.constant 0 : i32
    %dma_start3A_96 = arith.constant 0 : i32
    %dma_start3A_97 = tpu.memref_slice %arg6[%dma_start3A_93, %dma_start3A_95, %dma_start3A_96] : memref<14x64x128xf32, #tpu.memory_space<vmem>> -> memref<1x64x128xf32, #tpu.memory_space<vmem>>
    %dma_start3A_98 = tpu.memref_squeeze %dma_start3A_97 : memref<1x64x128xf32, #tpu.memory_space<vmem>> -> memref<64x128xf32, #tpu.memory_space<vmem>>
    %dma_start3A_99 = arith.constant 0 : i32
    %dma_start3A_100 = arith.constant 0 : i32
    %dma_start3A_101 = tpu.memref_slice %dma_start3A_98[%dma_start3A_99, %dma_start3A_100] : memref<64x128xf32, #tpu.memory_space<vmem>> -> memref<64x128xf32, #tpu.memory_space<vmem>>
    %dma_start3A_102 = arith.constant 0 : i32
    %dma_start3A_103 = tpu.memref_slice %arg5[%dma_start3A_92, %dma_start3A_102] : memref<100x64xi32, #tpu.memory_space<vmem>> -> memref<1x64xi32, #tpu.memory_space<vmem>>
    %dma_start3A_104 = tpu.memref_squeeze %dma_start3A_103 : memref<1x64xi32, #tpu.memory_space<vmem>> -> memref<64xi32, #tpu.memory_space<vmem>>
    %dma_start3A_105 = arith.constant 0 : i32
    %dma_start3A_106 = arith.constant 0 : i32
    %dma_start3A_107 = tpu.memref_slice %arg3[%dma_start3A_105, %dma_start3A_106] : memref<100000x128xf32, #tpu.memory_space<hbm>> -> memref<100000x128xf32, #tpu.memory_space<hbm>>
    %dma_start3A_108 = tpu.memref_slice %arg7[%dma_start3A_94] : memref<14x!tpu.dma_semaphore, #tpu.memory_space<semaphore_mem>> -> memref<1x!tpu.dma_semaphore, #tpu.memory_space<semaphore_mem>>
    %dma_start3A_109 = tpu.memref_squeeze %dma_start3A_108 : memref<1x!tpu.dma_semaphore, #tpu.memory_space<semaphore_mem>> -> memref<!tpu.dma_semaphore, #tpu.memory_space<semaphore_mem>>
    tpu.enqueue_indirect_dma source(%dma_start3A_107 : memref<100000x128xf32, #tpu.memory_space<hbm>>) target(%dma_start3A_101 : memref<64x128xf32, #tpu.memory_space<vmem>>) offsets(%dma_start3A_104 : memref<64xi32, #tpu.memory_space<vmem>>) semaphore(%dma_start3A_109 : memref<!tpu.dma_semaphore, #tpu.memory_space<semaphore_mem>>)
    %dma_start3A_110 = arith.constant 6 : i32
    %dma_start3A_111 = arith.constant 6 : i32
    %dma_start3A_112 = arith.constant 6 : i32
    %dma_start3A_113 = arith.constant 0 : i32
    %dma_start3A_114 = arith.constant 0 : i32
    %dma_start3A_115 = tpu.memref_slice %arg6[%dma_start3A_111, %dma_start3A_113, %dma_start3A_114] : memref<14x64x128xf32, #tpu.memory_space<vmem>> -> memref<1x64x128xf32, #tpu.memory_space<vmem>>
    %dma_start3A_116 = tpu.memref_squeeze %dma_start3A_115 : memref<1x64x128xf32, #tpu.memory_space<vmem>> -> memref<64x128xf32, #tpu.memory_space<vmem>>
    %dma_start3A_117 = arith.constant 0 : i32
    %dma_start3A_118 = arith.constant 0 : i32
    %dma_start3A_119 = tpu.memref_slice %dma_start3A_116[%dma_start3A_117, %dma_start3A_118] : memref<64x128xf32, #tpu.memory_space<vmem>> -> memref<64x128xf32, #tpu.memory_space<vmem>>
    %dma_start3A_120 = arith.constant 0 : i32
    %dma_start3A_121 = tpu.memref_slice %arg5[%dma_start3A_110, %dma_start3A_120] : memref<100x64xi32, #tpu.memory_space<vmem>> -> memref<1x64xi32, #tpu.memory_space<vmem>>
    %dma_start3A_122 = tpu.memref_squeeze %dma_start3A_121 : memref<1x64xi32, #tpu.memory_space<vmem>> -> memref<64xi32, #tpu.memory_space<vmem>>
    %dma_start3A_123 = arith.constant 0 : i32
    %dma_start3A_124 = arith.constant 0 : i32
    %dma_start3A_125 = tpu.memref_slice %arg3[%dma_start3A_123, %dma_start3A_124] : memref<100000x128xf32, #tpu.memory_space<hbm>> -> memref<100000x128xf32, #tpu.memory_space<hbm>>
    %dma_start3A_126 = tpu.memref_slice %arg7[%dma_start3A_112] : memref<14x!tpu.dma_semaphore, #tpu.memory_space<semaphore_mem>> -> memref<1x!tpu.dma_semaphore, #tpu.memory_space<semaphore_mem>>
    %dma_start3A_127 = tpu.memref_squeeze %dma_start3A_126 : memref<1x!tpu.dma_semaphore, #tpu.memory_space<semaphore_mem>> -> memref<!tpu.dma_semaphore, #tpu.memory_space<semaphore_mem>>
    tpu.enqueue_indirect_dma source(%dma_start3A_125 : memref<100000x128xf32, #tpu.memory_space<hbm>>) target(%dma_start3A_119 : memref<64x128xf32, #tpu.memory_space<vmem>>) offsets(%dma_start3A_122 : memref<64xi32, #tpu.memory_space<vmem>>) semaphore(%dma_start3A_127 : memref<!tpu.dma_semaphore, #tpu.memory_space<semaphore_mem>>)
    %dma_start3A_128 = arith.constant 7 : i32
    %dma_start3A_129 = arith.constant 7 : i32
    %dma_start3A_130 = arith.constant 7 : i32
    %dma_start3A_131 = arith.constant 0 : i32
    %dma_start3A_132 = arith.constant 0 : i32
    %dma_start3A_133 = tpu.memref_slice %arg6[%dma_start3A_129, %dma_start3A_131, %dma_start3A_132] : memref<14x64x128xf32, #tpu.memory_space<vmem>> -> memref<1x64x128xf32, #tpu.memory_space<vmem>>
    %dma_start3A_134 = tpu.memref_squeeze %dma_start3A_133 : memref<1x64x128xf32, #tpu.memory_space<vmem>> -> memref<64x128xf32, #tpu.memory_space<vmem>>
    %dma_start3A_135 = arith.constant 0 : i32
    %dma_start3A_136 = arith.constant 0 : i32
    %dma_start3A_137 = tpu.memref_slice %dma_start3A_134[%dma_start3A_135, %dma_start3A_136] : memref<64x128xf32, #tpu.memory_space<vmem>> -> memref<64x128xf32, #tpu.memory_space<vmem>>
    %dma_start3A_138 = arith.constant 0 : i32
    %dma_start3A_139 = tpu.memref_slice %arg5[%dma_start3A_128, %dma_start3A_138] : memref<100x64xi32, #tpu.memory_space<vmem>> -> memref<1x64xi32, #tpu.memory_space<vmem>>
    %dma_start3A_140 = tpu.memref_squeeze %dma_start3A_139 : memref<1x64xi32, #tpu.memory_space<vmem>> -> memref<64xi32, #tpu.memory_space<vmem>>
    %dma_start3A_141 = arith.constant 0 : i32
    %dma_start3A_142 = arith.constant 0 : i32
    %dma_start3A_143 = tpu.memref_slice %arg3[%dma_start3A_141, %dma_start3A_142] : memref<100000x128xf32, #tpu.memory_space<hbm>> -> memref<100000x128xf32, #tpu.memory_space<hbm>>
    %dma_start3A_144 = tpu.memref_slice %arg7[%dma_start3A_130] : memref<14x!tpu.dma_semaphore, #tpu.memory_space<semaphore_mem>> -> memref<1x!tpu.dma_semaphore, #tpu.memory_space<semaphore_mem>>
    %dma_start3A_145 = tpu.memref_squeeze %dma_start3A_144 : memref<1x!tpu.dma_semaphore, #tpu.memory_space<semaphore_mem>> -> memref<!tpu.dma_semaphore, #tpu.memory_space<semaphore_mem>>
    tpu.enqueue_indirect_dma source(%dma_start3A_143 : memref<100000x128xf32, #tpu.memory_space<hbm>>) target(%dma_start3A_137 : memref<64x128xf32, #tpu.memory_space<vmem>>) offsets(%dma_start3A_140 : memref<64xi32, #tpu.memory_space<vmem>>) semaphore(%dma_start3A_145 : memref<!tpu.dma_semaphore, #tpu.memory_space<semaphore_mem>>)
    %dma_start3A_146 = arith.constant 8 : i32
    %dma_start3A_147 = arith.constant 8 : i32
    %dma_start3A_148 = arith.constant 8 : i32
    %dma_start3A_149 = arith.constant 0 : i32
    %dma_start3A_150 = arith.constant 0 : i32
    %dma_start3A_151 = tpu.memref_slice %arg6[%dma_start3A_147, %dma_start3A_149, %dma_start3A_150] : memref<14x64x128xf32, #tpu.memory_space<vmem>> -> memref<1x64x128xf32, #tpu.memory_space<vmem>>
    %dma_start3A_152 = tpu.memref_squeeze %dma_start3A_151 : memref<1x64x128xf32, #tpu.memory_space<vmem>> -> memref<64x128xf32, #tpu.memory_space<vmem>>
    %dma_start3A_153 = arith.constant 0 : i32
    %dma_start3A_154 = arith.constant 0 : i32
    %dma_start3A_155 = tpu.memref_slice %dma_start3A_152[%dma_start3A_153, %dma_start3A_154] : memref<64x128xf32, #tpu.memory_space<vmem>> -> memref<64x128xf32, #tpu.memory_space<vmem>>
    %dma_start3A_156 = arith.constant 0 : i32
    %dma_start3A_157 = tpu.memref_slice %arg5[%dma_start3A_146, %dma_start3A_156] : memref<100x64xi32, #tpu.memory_space<vmem>> -> memref<1x64xi32, #tpu.memory_space<vmem>>
    %dma_start3A_158 = tpu.memref_squeeze %dma_start3A_157 : memref<1x64xi32, #tpu.memory_space<vmem>> -> memref<64xi32, #tpu.memory_space<vmem>>
    %dma_start3A_159 = arith.constant 0 : i32
    %dma_start3A_160 = arith.constant 0 : i32
    %dma_start3A_161 = tpu.memref_slice %arg3[%dma_start3A_159, %dma_start3A_160] : memref<100000x128xf32, #tpu.memory_space<hbm>> -> memref<100000x128xf32, #tpu.memory_space<hbm>>
    %dma_start3A_162 = tpu.memref_slice %arg7[%dma_start3A_148] : memref<14x!tpu.dma_semaphore, #tpu.memory_space<semaphore_mem>> -> memref<1x!tpu.dma_semaphore, #tpu.memory_space<semaphore_mem>>
    %dma_start3A_163 = tpu.memref_squeeze %dma_start3A_162 : memref<1x!tpu.dma_semaphore, #tpu.memory_space<semaphore_mem>> -> memref<!tpu.dma_semaphore, #tpu.memory_space<semaphore_mem>>
    tpu.enqueue_indirect_dma source(%dma_start3A_161 : memref<100000x128xf32, #tpu.memory_space<hbm>>) target(%dma_start3A_155 : memref<64x128xf32, #tpu.memory_space<vmem>>) offsets(%dma_start3A_158 : memref<64xi32, #tpu.memory_space<vmem>>) semaphore(%dma_start3A_163 : memref<!tpu.dma_semaphore, #tpu.memory_space<semaphore_mem>>)
    %dma_start3A_164 = arith.constant 9 : i32
    %dma_start3A_165 = arith.constant 9 : i32
    %dma_start3A_166 = arith.constant 9 : i32
    %dma_start3A_167 = arith.constant 0 : i32
    %dma_start3A_168 = arith.constant 0 : i32
    %dma_start3A_169 = tpu.memref_slice %arg6[%dma_start3A_165, %dma_start3A_167, %dma_start3A_168] : memref<14x64x128xf32, #tpu.memory_space<vmem>> -> memref<1x64x128xf32, #tpu.memory_space<vmem>>
    %dma_start3A_170 = tpu.memref_squeeze %dma_start3A_169 : memref<1x64x128xf32, #tpu.memory_space<vmem>> -> memref<64x128xf32, #tpu.memory_space<vmem>>
    %dma_start3A_171 = arith.constant 0 : i32
    %dma_start3A_172 = arith.constant 0 : i32
    %dma_start3A_173 = tpu.memref_slice %dma_start3A_170[%dma_start3A_171, %dma_start3A_172] : memref<64x128xf32, #tpu.memory_space<vmem>> -> memref<64x128xf32, #tpu.memory_space<vmem>>
    %dma_start3A_174 = arith.constant 0 : i32
    %dma_start3A_175 = tpu.memref_slice %arg5[%dma_start3A_164, %dma_start3A_174] : memref<100x64xi32, #tpu.memory_space<vmem>> -> memref<1x64xi32, #tpu.memory_space<vmem>>
    %dma_start3A_176 = tpu.memref_squeeze %dma_start3A_175 : memref<1x64xi32, #tpu.memory_space<vmem>> -> memref<64xi32, #tpu.memory_space<vmem>>
    %dma_start3A_177 = arith.constant 0 : i32
    %dma_start3A_178 = arith.constant 0 : i32
    %dma_start3A_179 = tpu.memref_slice %arg3[%dma_start3A_177, %dma_start3A_178] : memref<100000x128xf32, #tpu.memory_space<hbm>> -> memref<100000x128xf32, #tpu.memory_space<hbm>>
    %dma_start3A_180 = tpu.memref_slice %arg7[%dma_start3A_166] : memref<14x!tpu.dma_semaphore, #tpu.memory_space<semaphore_mem>> -> memref<1x!tpu.dma_semaphore, #tpu.memory_space<semaphore_mem>>
    %dma_start3A_181 = tpu.memref_squeeze %dma_start3A_180 : memref<1x!tpu.dma_semaphore, #tpu.memory_space<semaphore_mem>> -> memref<!tpu.dma_semaphore, #tpu.memory_space<semaphore_mem>>
    tpu.enqueue_indirect_dma source(%dma_start3A_179 : memref<100000x128xf32, #tpu.memory_space<hbm>>) target(%dma_start3A_173 : memref<64x128xf32, #tpu.memory_space<vmem>>) offsets(%dma_start3A_176 : memref<64xi32, #tpu.memory_space<vmem>>) semaphore(%dma_start3A_181 : memref<!tpu.dma_semaphore, #tpu.memory_space<semaphore_mem>>)
    %dma_start3A_182 = arith.constant 10 : i32
    %dma_start3A_183 = arith.constant 10 : i32
    %dma_start3A_184 = arith.constant 10 : i32
    %dma_start3A_185 = arith.constant 0 : i32
    %dma_start3A_186 = arith.constant 0 : i32
    %dma_start3A_187 = tpu.memref_slice %arg6[%dma_start3A_183, %dma_start3A_185, %dma_start3A_186] : memref<14x64x128xf32, #tpu.memory_space<vmem>> -> memref<1x64x128xf32, #tpu.memory_space<vmem>>
    %dma_start3A_188 = tpu.memref_squeeze %dma_start3A_187 : memref<1x64x128xf32, #tpu.memory_space<vmem>> -> memref<64x128xf32, #tpu.memory_space<vmem>>
    %dma_start3A_189 = arith.constant 0 : i32
    %dma_start3A_190 = arith.constant 0 : i32
    %dma_start3A_191 = tpu.memref_slice %dma_start3A_188[%dma_start3A_189, %dma_start3A_190] : memref<64x128xf32, #tpu.memory_space<vmem>> -> memref<64x128xf32, #tpu.memory_space<vmem>>
    %dma_start3A_192 = arith.constant 0 : i32
    %dma_start3A_193 = tpu.memref_slice %arg5[%dma_start3A_182, %dma_start3A_192] : memref<100x64xi32, #tpu.memory_space<vmem>> -> memref<1x64xi32, #tpu.memory_space<vmem>>
    %dma_start3A_194 = tpu.memref_squeeze %dma_start3A_193 : memref<1x64xi32, #tpu.memory_space<vmem>> -> memref<64xi32, #tpu.memory_space<vmem>>
    %dma_start3A_195 = arith.constant 0 : i32
    %dma_start3A_196 = arith.constant 0 : i32
    %dma_start3A_197 = tpu.memref_slice %arg3[%dma_start3A_195, %dma_start3A_196] : memref<100000x128xf32, #tpu.memory_space<hbm>> -> memref<100000x128xf32, #tpu.memory_space<hbm>>
    %dma_start3A_198 = tpu.memref_slice %arg7[%dma_start3A_184] : memref<14x!tpu.dma_semaphore, #tpu.memory_space<semaphore_mem>> -> memref<1x!tpu.dma_semaphore, #tpu.memory_space<semaphore_mem>>
    %dma_start3A_199 = tpu.memref_squeeze %dma_start3A_198 : memref<1x!tpu.dma_semaphore, #tpu.memory_space<semaphore_mem>> -> memref<!tpu.dma_semaphore, #tpu.memory_space<semaphore_mem>>
    tpu.enqueue_indirect_dma source(%dma_start3A_197 : memref<100000x128xf32, #tpu.memory_space<hbm>>) target(%dma_start3A_191 : memref<64x128xf32, #tpu.memory_space<vmem>>) offsets(%dma_start3A_194 : memref<64xi32, #tpu.memory_space<vmem>>) semaphore(%dma_start3A_199 : memref<!tpu.dma_semaphore, #tpu.memory_space<semaphore_mem>>)
    %dma_start3A_200 = arith.constant 11 : i32
    %dma_start3A_201 = arith.constant 11 : i32
    %dma_start3A_202 = arith.constant 11 : i32
    %dma_start3A_203 = arith.constant 0 : i32
    %dma_start3A_204 = arith.constant 0 : i32
    %dma_start3A_205 = tpu.memref_slice %arg6[%dma_start3A_201, %dma_start3A_203, %dma_start3A_204] : memref<14x64x128xf32, #tpu.memory_space<vmem>> -> memref<1x64x128xf32, #tpu.memory_space<vmem>>
    %dma_start3A_206 = tpu.memref_squeeze %dma_start3A_205 : memref<1x64x128xf32, #tpu.memory_space<vmem>> -> memref<64x128xf32, #tpu.memory_space<vmem>>
    %dma_start3A_207 = arith.constant 0 : i32
    %dma_start3A_208 = arith.constant 0 : i32
    %dma_start3A_209 = tpu.memref_slice %dma_start3A_206[%dma_start3A_207, %dma_start3A_208] : memref<64x128xf32, #tpu.memory_space<vmem>> -> memref<64x128xf32, #tpu.memory_space<vmem>>
    %dma_start3A_210 = arith.constant 0 : i32
    %dma_start3A_211 = tpu.memref_slice %arg5[%dma_start3A_200, %dma_start3A_210] : memref<100x64xi32, #tpu.memory_space<vmem>> -> memref<1x64xi32, #tpu.memory_space<vmem>>
    %dma_start3A_212 = tpu.memref_squeeze %dma_start3A_211 : memref<1x64xi32, #tpu.memory_space<vmem>> -> memref<64xi32, #tpu.memory_space<vmem>>
    %dma_start3A_213 = arith.constant 0 : i32
    %dma_start3A_214 = arith.constant 0 : i32
    %dma_start3A_215 = tpu.memref_slice %arg3[%dma_start3A_213, %dma_start3A_214] : memref<100000x128xf32, #tpu.memory_space<hbm>> -> memref<100000x128xf32, #tpu.memory_space<hbm>>
    %dma_start3A_216 = tpu.memref_slice %arg7[%dma_start3A_202] : memref<14x!tpu.dma_semaphore, #tpu.memory_space<semaphore_mem>> -> memref<1x!tpu.dma_semaphore, #tpu.memory_space<semaphore_mem>>
    %dma_start3A_217 = tpu.memref_squeeze %dma_start3A_216 : memref<1x!tpu.dma_semaphore, #tpu.memory_space<semaphore_mem>> -> memref<!tpu.dma_semaphore, #tpu.memory_space<semaphore_mem>>
    tpu.enqueue_indirect_dma source(%dma_start3A_215 : memref<100000x128xf32, #tpu.memory_space<hbm>>) target(%dma_start3A_209 : memref<64x128xf32, #tpu.memory_space<vmem>>) offsets(%dma_start3A_212 : memref<64xi32, #tpu.memory_space<vmem>>) semaphore(%dma_start3A_217 : memref<!tpu.dma_semaphore, #tpu.memory_space<semaphore_mem>>)
    %dma_start3A_218 = arith.constant 12 : i32
    %dma_start3A_219 = arith.constant 12 : i32
    %dma_start3A_220 = arith.constant 12 : i32
    %dma_start3A_221 = arith.constant 0 : i32
    %dma_start3A_222 = arith.constant 0 : i32
    %dma_start3A_223 = tpu.memref_slice %arg6[%dma_start3A_219, %dma_start3A_221, %dma_start3A_222] : memref<14x64x128xf32, #tpu.memory_space<vmem>> -> memref<1x64x128xf32, #tpu.memory_space<vmem>>
    %dma_start3A_224 = tpu.memref_squeeze %dma_start3A_223 : memref<1x64x128xf32, #tpu.memory_space<vmem>> -> memref<64x128xf32, #tpu.memory_space<vmem>>
    %dma_start3A_225 = arith.constant 0 : i32
    %dma_start3A_226 = arith.constant 0 : i32
    %dma_start3A_227 = tpu.memref_slice %dma_start3A_224[%dma_start3A_225, %dma_start3A_226] : memref<64x128xf32, #tpu.memory_space<vmem>> -> memref<64x128xf32, #tpu.memory_space<vmem>>
    %dma_start3A_228 = arith.constant 0 : i32
    %dma_start3A_229 = tpu.memref_slice %arg5[%dma_start3A_218, %dma_start3A_228] : memref<100x64xi32, #tpu.memory_space<vmem>> -> memref<1x64xi32, #tpu.memory_space<vmem>>
    %dma_start3A_230 = tpu.memref_squeeze %dma_start3A_229 : memref<1x64xi32, #tpu.memory_space<vmem>> -> memref<64xi32, #tpu.memory_space<vmem>>
    %dma_start3A_231 = arith.constant 0 : i32
    %dma_start3A_232 = arith.constant 0 : i32
    %dma_start3A_233 = tpu.memref_slice %arg3[%dma_start3A_231, %dma_start3A_232] : memref<100000x128xf32, #tpu.memory_space<hbm>> -> memref<100000x128xf32, #tpu.memory_space<hbm>>
    %dma_start3A_234 = tpu.memref_slice %arg7[%dma_start3A_220] : memref<14x!tpu.dma_semaphore, #tpu.memory_space<semaphore_mem>> -> memref<1x!tpu.dma_semaphore, #tpu.memory_space<semaphore_mem>>
    %dma_start3A_235 = tpu.memref_squeeze %dma_start3A_234 : memref<1x!tpu.dma_semaphore, #tpu.memory_space<semaphore_mem>> -> memref<!tpu.dma_semaphore, #tpu.memory_space<semaphore_mem>>
    tpu.enqueue_indirect_dma source(%dma_start3A_233 : memref<100000x128xf32, #tpu.memory_space<hbm>>) target(%dma_start3A_227 : memref<64x128xf32, #tpu.memory_space<vmem>>) offsets(%dma_start3A_230 : memref<64xi32, #tpu.memory_space<vmem>>) semaphore(%dma_start3A_235 : memref<!tpu.dma_semaphore, #tpu.memory_space<semaphore_mem>>)
    %dma_start3A_236 = arith.constant 13 : i32
    %dma_start3A_237 = arith.constant 13 : i32
    %dma_start3A_238 = arith.constant 13 : i32
    %dma_start3A_239 = arith.constant 0 : i32
    %dma_start3A_240 = arith.constant 0 : i32
    %dma_start3A_241 = tpu.memref_slice %arg6[%dma_start3A_237, %dma_start3A_239, %dma_start3A_240] : memref<14x64x128xf32, #tpu.memory_space<vmem>> -> memref<1x64x128xf32, #tpu.memory_space<vmem>>
    %dma_start3A_242 = tpu.memref_squeeze %dma_start3A_241 : memref<1x64x128xf32, #tpu.memory_space<vmem>> -> memref<64x128xf32, #tpu.memory_space<vmem>>
    %dma_start3A_243 = arith.constant 0 : i32
    %dma_start3A_244 = arith.constant 0 : i32
    %dma_start3A_245 = tpu.memref_slice %dma_start3A_242[%dma_start3A_243, %dma_start3A_244] : memref<64x128xf32, #tpu.memory_space<vmem>> -> memref<64x128xf32, #tpu.memory_space<vmem>>
    %dma_start3A_246 = arith.constant 0 : i32
    %dma_start3A_247 = tpu.memref_slice %arg5[%dma_start3A_236, %dma_start3A_246] : memref<100x64xi32, #tpu.memory_space<vmem>> -> memref<1x64xi32, #tpu.memory_space<vmem>>
    %dma_start3A_248 = tpu.memref_squeeze %dma_start3A_247 : memref<1x64xi32, #tpu.memory_space<vmem>> -> memref<64xi32, #tpu.memory_space<vmem>>
    %dma_start3A_249 = arith.constant 0 : i32
    %dma_start3A_250 = arith.constant 0 : i32
    %dma_start3A_251 = tpu.memref_slice %arg3[%dma_start3A_249, %dma_start3A_250] : memref<100000x128xf32, #tpu.memory_space<hbm>> -> memref<100000x128xf32, #tpu.memory_space<hbm>>
    %dma_start3A_252 = tpu.memref_slice %arg7[%dma_start3A_238] : memref<14x!tpu.dma_semaphore, #tpu.memory_space<semaphore_mem>> -> memref<1x!tpu.dma_semaphore, #tpu.memory_space<semaphore_mem>>
    %dma_start3A_253 = tpu.memref_squeeze %dma_start3A_252 : memref<1x!tpu.dma_semaphore, #tpu.memory_space<semaphore_mem>> -> memref<!tpu.dma_semaphore, #tpu.memory_space<semaphore_mem>>
    tpu.enqueue_indirect_dma source(%dma_start3A_251 : memref<100000x128xf32, #tpu.memory_space<hbm>>) target(%dma_start3A_245 : memref<64x128xf32, #tpu.memory_space<vmem>>) offsets(%dma_start3A_248 : memref<64xi32, #tpu.memory_space<vmem>>) semaphore(%dma_start3A_253 : memref<!tpu.dma_semaphore, #tpu.memory_space<semaphore_mem>>)
    %scan3A = arith.constant 0 : i32
    %scan3A_254 = arith.constant 0 : i32
    %scan3A_255 = arith.constant 100 : i32
    %scan3A_256 = arith.addi %scan3A_254, %scan3A_255 : i32
    %scan3A_257 = arith.constant 1 : i32
    scf.for %scan3A_523 = %scan3A_254 to %scan3A_256 step %scan3A_257  : i32 {
      %rem3A_524 = arith.constant 14 : i32
      %rem3A_525 = arith.remsi %scan3A_523, %rem3A_524 : i32
      %mul3A_526 = arith.constant 1 : i32
      %mul3A_527 = arith.muli %scan3A_523, %mul3A_526 : i32
      %add3A_528 = arith.constant 0 : i32
      %add3A_529 = arith.addi %mul3A_527, %add3A_528 : i32
      %dma_wait3A_530 = arith.constant 0 : i32
      %dma_wait3A_531 = arith.constant 0 : i32
      %dma_wait3A_532 = tpu.memref_slice %arg6[%rem3A_525, %dma_wait3A_530, %dma_wait3A_531] : memref<14x64x128xf32, #tpu.memory_space<vmem>> -> memref<1x64x128xf32, #tpu.memory_space<vmem>>
      %dma_wait3A_533 = tpu.memref_squeeze %dma_wait3A_532 : memref<1x64x128xf32, #tpu.memory_space<vmem>> -> memref<64x128xf32, #tpu.memory_space<vmem>>
      %dma_wait3A_534 = arith.constant 0 : i32
      %dma_wait3A_535 = arith.constant 0 : i32
      %dma_wait3A_536 = tpu.memref_slice %dma_wait3A_533[%dma_wait3A_534, %dma_wait3A_535] : memref<64x128xf32, #tpu.memory_space<vmem>> -> memref<64x128xf32, #tpu.memory_space<vmem>>
      %dma_wait3A_537 = arith.constant 0 : i32
      %dma_wait3A_538 = tpu.memref_slice %arg5[%add3A_529, %dma_wait3A_537] : memref<100x64xi32, #tpu.memory_space<vmem>> -> memref<1x64xi32, #tpu.memory_space<vmem>>
      %dma_wait3A_539 = tpu.memref_squeeze %dma_wait3A_538 : memref<1x64xi32, #tpu.memory_space<vmem>> -> memref<64xi32, #tpu.memory_space<vmem>>
      %dma_wait3A_540 = arith.constant 0 : i32
      %dma_wait3A_541 = arith.constant 0 : i32
      %dma_wait3A_542 = tpu.memref_slice %arg3[%dma_wait3A_540, %dma_wait3A_541] : memref<100000x128xf32, #tpu.memory_space<hbm>> -> memref<100000x128xf32, #tpu.memory_space<hbm>>
      %dma_wait3A_543 = tpu.memref_slice %arg7[%rem3A_525] : memref<14x!tpu.dma_semaphore, #tpu.memory_space<semaphore_mem>> -> memref<1x!tpu.dma_semaphore, #tpu.memory_space<semaphore_mem>>
      %dma_wait3A_544 = tpu.memref_squeeze %dma_wait3A_543 : memref<1x!tpu.dma_semaphore, #tpu.memory_space<semaphore_mem>> -> memref<!tpu.dma_semaphore, #tpu.memory_space<semaphore_mem>>
      tpu.wait_indirect_dma semaphore(%dma_wait3A_544 : memref<!tpu.dma_semaphore, #tpu.memory_space<semaphore_mem>>) src(%dma_wait3A_542 : memref<100000x128xf32, #tpu.memory_space<hbm>>) dst(%dma_wait3A_536 : memref<64x128xf32, #tpu.memory_space<vmem>>)
      %mul3A_545 = arith.constant 64 : i32
      %mul3A_546 = arith.muli %scan3A_523, %mul3A_545 : i32
      %add3A_547 = arith.addi %mul3A_2, %mul3A_546 : i32
      %dma_start3A_548 = arith.constant 0 : i32
      %dma_start3A_549 = arith.constant 0 : i32
      %dma_start3A_550 = tpu.memref_slice %arg6[%rem3A_525, %dma_start3A_548, %dma_start3A_549] : memref<14x64x128xf32, #tpu.memory_space<vmem>> -> memref<1x64x128xf32, #tpu.memory_space<vmem>>
      %dma_start3A_551 = tpu.memref_squeeze %dma_start3A_550 : memref<1x64x128xf32, #tpu.memory_space<vmem>> -> memref<64x128xf32, #tpu.memory_space<vmem>>
      %dma_start3A_552 = arith.constant 0 : i32
      %dma_start3A_553 = tpu.memref_slice %arg4[%add3A_547, %dma_start3A_552] : memref<204800x128xf32, #tpu.memory_space<hbm>> -> memref<64x128xf32, #tpu.memory_space<hbm>>
      %dma_start3A_554 = tpu.memref_slice %arg8[%rem3A_525] : memref<14x!tpu.dma_semaphore, #tpu.memory_space<semaphore_mem>> -> memref<1x!tpu.dma_semaphore, #tpu.memory_space<semaphore_mem>>
      %dma_start3A_555 = tpu.memref_squeeze %dma_start3A_554 : memref<1x!tpu.dma_semaphore, #tpu.memory_space<semaphore_mem>> -> memref<!tpu.dma_semaphore, #tpu.memory_space<semaphore_mem>>
      %dma_start3A_556 = arith.constant 0 : i32
      %dma_start3A_557 = tpu.memref_slice %arg4[%add3A_547, %dma_start3A_556] : memref<204800x128xf32, #tpu.memory_space<hbm>> -> memref<64x128xf32, #tpu.memory_space<hbm>>
      %dma_start3A_558 = arith.constant 0 : i32
      %dma_start3A_559 = arith.constant 0 : i32
      %dma_start3A_560 = tpu.memref_slice %arg6[%rem3A_525, %dma_start3A_558, %dma_start3A_559] : memref<14x64x128xf32, #tpu.memory_space<vmem>> -> memref<1x64x128xf32, #tpu.memory_space<vmem>>
      %dma_start3A_561 = tpu.memref_squeeze %dma_start3A_560 : memref<1x64x128xf32, #tpu.memory_space<vmem>> -> memref<64x128xf32, #tpu.memory_space<vmem>>
      tpu.enqueue_dma source(%dma_start3A_561 : memref<64x128xf32, #tpu.memory_space<vmem>>) target(%dma_start3A_557 : memref<64x128xf32, #tpu.memory_space<hbm>>) target_semaphore(%dma_start3A_555 : memref<!tpu.dma_semaphore, #tpu.memory_space<semaphore_mem>>)
      %add3A_562 = arith.constant 14 : i32
      %add3A_563 = arith.addi %scan3A_523, %add3A_562 : i32
      %lt3A = arith.constant 100 : i32
      %lt3A_564 = arith.cmpi slt, %add3A_563, %lt3A : i32
      %convert_element_type3A = arith.extui %lt3A_564 : i1 to i32
      %cond3A = arith.constant 0 : i32
      %cond3A_565 = arith.cmpi ne, %convert_element_type3A, %cond3A : i32
      scf.if %cond3A_565 {
        %mul3A_566 = arith.constant 64 : i32
        %mul3A_567 = arith.muli %scan3A_523, %mul3A_566 : i32
        %add3A_568 = arith.addi %mul3A_2, %mul3A_567 : i32
        %dma_wait3A_569 = arith.constant 0 : i32
        %dma_wait3A_570 = arith.constant 0 : i32
        %dma_wait3A_571 = tpu.memref_slice %arg6[%rem3A_525, %dma_wait3A_569, %dma_wait3A_570] : memref<14x64x128xf32, #tpu.memory_space<vmem>> -> memref<1x64x128xf32, #tpu.memory_space<vmem>>
        %dma_wait3A_572 = tpu.memref_squeeze %dma_wait3A_571 : memref<1x64x128xf32, #tpu.memory_space<vmem>> -> memref<64x128xf32, #tpu.memory_space<vmem>>
        %dma_wait3A_573 = arith.constant 0 : i32
        %dma_wait3A_574 = tpu.memref_slice %arg4[%add3A_568, %dma_wait3A_573] : memref<204800x128xf32, #tpu.memory_space<hbm>> -> memref<64x128xf32, #tpu.memory_space<hbm>>
        %dma_wait3A_575 = tpu.memref_slice %arg8[%rem3A_525] : memref<14x!tpu.dma_semaphore, #tpu.memory_space<semaphore_mem>> -> memref<1x!tpu.dma_semaphore, #tpu.memory_space<semaphore_mem>>
        %dma_wait3A_576 = tpu.memref_squeeze %dma_wait3A_575 : memref<1x!tpu.dma_semaphore, #tpu.memory_space<semaphore_mem>> -> memref<!tpu.dma_semaphore, #tpu.memory_space<semaphore_mem>>
        %dma_wait3A_577 = arith.constant 0 : i32
        %dma_wait3A_578 = tpu.memref_slice %arg4[%add3A_568, %dma_wait3A_577] : memref<204800x128xf32, #tpu.memory_space<hbm>> -> memref<64x128xf32, #tpu.memory_space<hbm>>
        %dma_wait3A_579 = arith.constant 0 : i32
        %dma_wait3A_580 = arith.constant 0 : i32
        %dma_wait3A_581 = tpu.memref_slice %arg6[%rem3A_525, %dma_wait3A_579, %dma_wait3A_580] : memref<14x64x128xf32, #tpu.memory_space<vmem>> -> memref<1x64x128xf32, #tpu.memory_space<vmem>>
        %dma_wait3A_582 = tpu.memref_squeeze %dma_wait3A_581 : memref<1x64x128xf32, #tpu.memory_space<vmem>> -> memref<64x128xf32, #tpu.memory_space<vmem>>
        tpu.wait_dma2 semaphore(%dma_wait3A_576 : memref<!tpu.dma_semaphore, #tpu.memory_space<semaphore_mem>>) src(%dma_wait3A_582 : memref<64x128xf32, #tpu.memory_space<vmem>>) dst(%dma_wait3A_578 : memref<64x128xf32, #tpu.memory_space<hbm>>)
        %add3A_583 = arith.constant 14 : i32
        %add3A_584 = arith.addi %scan3A_523, %add3A_583 : i32
        %mul3A_585 = arith.constant 1 : i32
        %mul3A_586 = arith.muli %add3A_584, %mul3A_585 : i32
        %add3A_587 = arith.constant 0 : i32
        %add3A_588 = arith.addi %mul3A_586, %add3A_587 : i32
        %dma_start3A_589 = arith.constant 0 : i32
        %dma_start3A_590 = arith.constant 0 : i32
        %dma_start3A_591 = tpu.memref_slice %arg6[%rem3A_525, %dma_start3A_589, %dma_start3A_590] : memref<14x64x128xf32, #tpu.memory_space<vmem>> -> memref<1x64x128xf32, #tpu.memory_space<vmem>>
        %dma_start3A_592 = tpu.memref_squeeze %dma_start3A_591 : memref<1x64x128xf32, #tpu.memory_space<vmem>> -> memref<64x128xf32, #tpu.memory_space<vmem>>
        %dma_start3A_593 = arith.constant 0 : i32
        %dma_start3A_594 = arith.constant 0 : i32
        %dma_start3A_595 = tpu.memref_slice %dma_start3A_592[%dma_start3A_593, %dma_start3A_594] : memref<64x128xf32, #tpu.memory_space<vmem>> -> memref<64x128xf32, #tpu.memory_space<vmem>>
        %dma_start3A_596 = arith.constant 0 : i32
        %dma_start3A_597 = tpu.memref_slice %arg5[%add3A_588, %dma_start3A_596] : memref<100x64xi32, #tpu.memory_space<vmem>> -> memref<1x64xi32, #tpu.memory_space<vmem>>
        %dma_start3A_598 = tpu.memref_squeeze %dma_start3A_597 : memref<1x64xi32, #tpu.memory_space<vmem>> -> memref<64xi32, #tpu.memory_space<vmem>>
        %dma_start3A_599 = arith.constant 0 : i32
        %dma_start3A_600 = arith.constant 0 : i32
        %dma_start3A_601 = tpu.memref_slice %arg3[%dma_start3A_599, %dma_start3A_600] : memref<100000x128xf32, #tpu.memory_space<hbm>> -> memref<100000x128xf32, #tpu.memory_space<hbm>>
        %dma_start3A_602 = tpu.memref_slice %arg7[%rem3A_525] : memref<14x!tpu.dma_semaphore, #tpu.memory_space<semaphore_mem>> -> memref<1x!tpu.dma_semaphore, #tpu.memory_space<semaphore_mem>>
        %dma_start3A_603 = tpu.memref_squeeze %dma_start3A_602 : memref<1x!tpu.dma_semaphore, #tpu.memory_space<semaphore_mem>> -> memref<!tpu.dma_semaphore, #tpu.memory_space<semaphore_mem>>
        tpu.enqueue_indirect_dma source(%dma_start3A_601 : memref<100000x128xf32, #tpu.memory_space<hbm>>) target(%dma_start3A_595 : memref<64x128xf32, #tpu.memory_space<vmem>>) offsets(%dma_start3A_598 : memref<64xi32, #tpu.memory_space<vmem>>) semaphore(%dma_start3A_603 : memref<!tpu.dma_semaphore, #tpu.memory_space<semaphore_mem>>)
      } else {
      }
    }
    %scan3A_258 = arith.constant 100 : i32
    %rem3A = arith.constant 86 : i32
    %rem3A_259 = arith.constant 14 : i32
    %rem3A_260 = arith.remsi %rem3A, %rem3A_259 : i32
    %add3A_261 = arith.constant 5504 : i32
    %add3A_262 = arith.addi %mul3A_2, %add3A_261 : i32
    %dma_wait3A = arith.constant 0 : i32
    %dma_wait3A_263 = arith.constant 0 : i32
    %dma_wait3A_264 = tpu.memref_slice %arg6[%rem3A_260, %dma_wait3A, %dma_wait3A_263] : memref<14x64x128xf32, #tpu.memory_space<vmem>> -> memref<1x64x128xf32, #tpu.memory_space<vmem>>
    %dma_wait3A_265 = tpu.memref_squeeze %dma_wait3A_264 : memref<1x64x128xf32, #tpu.memory_space<vmem>> -> memref<64x128xf32, #tpu.memory_space<vmem>>
    %dma_wait3A_266 = arith.constant 0 : i32
    %dma_wait3A_267 = tpu.memref_slice %arg4[%add3A_262, %dma_wait3A_266] : memref<204800x128xf32, #tpu.memory_space<hbm>> -> memref<64x128xf32, #tpu.memory_space<hbm>>
    %dma_wait3A_268 = tpu.memref_slice %arg8[%rem3A_260] : memref<14x!tpu.dma_semaphore, #tpu.memory_space<semaphore_mem>> -> memref<1x!tpu.dma_semaphore, #tpu.memory_space<semaphore_mem>>
    %dma_wait3A_269 = tpu.memref_squeeze %dma_wait3A_268 : memref<1x!tpu.dma_semaphore, #tpu.memory_space<semaphore_mem>> -> memref<!tpu.dma_semaphore, #tpu.memory_space<semaphore_mem>>
    %dma_wait3A_270 = arith.constant 0 : i32
    %dma_wait3A_271 = tpu.memref_slice %arg4[%add3A_262, %dma_wait3A_270] : memref<204800x128xf32, #tpu.memory_space<hbm>> -> memref<64x128xf32, #tpu.memory_space<hbm>>
    %dma_wait3A_272 = arith.constant 0 : i32
    %dma_wait3A_273 = arith.constant 0 : i32
    %dma_wait3A_274 = tpu.memref_slice %arg6[%rem3A_260, %dma_wait3A_272, %dma_wait3A_273] : memref<14x64x128xf32, #tpu.memory_space<vmem>> -> memref<1x64x128xf32, #tpu.memory_space<vmem>>
    %dma_wait3A_275 = tpu.memref_squeeze %dma_wait3A_274 : memref<1x64x128xf32, #tpu.memory_space<vmem>> -> memref<64x128xf32, #tpu.memory_space<vmem>>
    tpu.wait_dma2 semaphore(%dma_wait3A_269 : memref<!tpu.dma_semaphore, #tpu.memory_space<semaphore_mem>>) src(%dma_wait3A_275 : memref<64x128xf32, #tpu.memory_space<vmem>>) dst(%dma_wait3A_271 : memref<64x128xf32, #tpu.memory_space<hbm>>)
    %rem3A_276 = arith.constant 87 : i32
    %rem3A_277 = arith.constant 14 : i32
    %rem3A_278 = arith.remsi %rem3A_276, %rem3A_277 : i32
    %add3A_279 = arith.constant 5568 : i32
    %add3A_280 = arith.addi %mul3A_2, %add3A_279 : i32
    %dma_wait3A_281 = arith.constant 0 : i32
    %dma_wait3A_282 = arith.constant 0 : i32
    %dma_wait3A_283 = tpu.memref_slice %arg6[%rem3A_278, %dma_wait3A_281, %dma_wait3A_282] : memref<14x64x128xf32, #tpu.memory_space<vmem>> -> memref<1x64x128xf32, #tpu.memory_space<vmem>>
    %dma_wait3A_284 = tpu.memref_squeeze %dma_wait3A_283 : memref<1x64x128xf32, #tpu.memory_space<vmem>> -> memref<64x128xf32, #tpu.memory_space<vmem>>
    %dma_wait3A_285 = arith.constant 0 : i32
    %dma_wait3A_286 = tpu.memref_slice %arg4[%add3A_280, %dma_wait3A_285] : memref<204800x128xf32, #tpu.memory_space<hbm>> -> memref<64x128xf32, #tpu.memory_space<hbm>>
    %dma_wait3A_287 = tpu.memref_slice %arg8[%rem3A_278] : memref<14x!tpu.dma_semaphore, #tpu.memory_space<semaphore_mem>> -> memref<1x!tpu.dma_semaphore, #tpu.memory_space<semaphore_mem>>
    %dma_wait3A_288 = tpu.memref_squeeze %dma_wait3A_287 : memref<1x!tpu.dma_semaphore, #tpu.memory_space<semaphore_mem>> -> memref<!tpu.dma_semaphore, #tpu.memory_space<semaphore_mem>>
    %dma_wait3A_289 = arith.constant 0 : i32
    %dma_wait3A_290 = tpu.memref_slice %arg4[%add3A_280, %dma_wait3A_289] : memref<204800x128xf32, #tpu.memory_space<hbm>> -> memref<64x128xf32, #tpu.memory_space<hbm>>
    %dma_wait3A_291 = arith.constant 0 : i32
    %dma_wait3A_292 = arith.constant 0 : i32
    %dma_wait3A_293 = tpu.memref_slice %arg6[%rem3A_278, %dma_wait3A_291, %dma_wait3A_292] : memref<14x64x128xf32, #tpu.memory_space<vmem>> -> memref<1x64x128xf32, #tpu.memory_space<vmem>>
    %dma_wait3A_294 = tpu.memref_squeeze %dma_wait3A_293 : memref<1x64x128xf32, #tpu.memory_space<vmem>> -> memref<64x128xf32, #tpu.memory_space<vmem>>
    tpu.wait_dma2 semaphore(%dma_wait3A_288 : memref<!tpu.dma_semaphore, #tpu.memory_space<semaphore_mem>>) src(%dma_wait3A_294 : memref<64x128xf32, #tpu.memory_space<vmem>>) dst(%dma_wait3A_290 : memref<64x128xf32, #tpu.memory_space<hbm>>)
    %rem3A_295 = arith.constant 88 : i32
    %rem3A_296 = arith.constant 14 : i32
    %rem3A_297 = arith.remsi %rem3A_295, %rem3A_296 : i32
    %add3A_298 = arith.constant 5632 : i32
    %add3A_299 = arith.addi %mul3A_2, %add3A_298 : i32
    %dma_wait3A_300 = arith.constant 0 : i32
    %dma_wait3A_301 = arith.constant 0 : i32
    %dma_wait3A_302 = tpu.memref_slice %arg6[%rem3A_297, %dma_wait3A_300, %dma_wait3A_301] : memref<14x64x128xf32, #tpu.memory_space<vmem>> -> memref<1x64x128xf32, #tpu.memory_space<vmem>>
    %dma_wait3A_303 = tpu.memref_squeeze %dma_wait3A_302 : memref<1x64x128xf32, #tpu.memory_space<vmem>> -> memref<64x128xf32, #tpu.memory_space<vmem>>
    %dma_wait3A_304 = arith.constant 0 : i32
    %dma_wait3A_305 = tpu.memref_slice %arg4[%add3A_299, %dma_wait3A_304] : memref<204800x128xf32, #tpu.memory_space<hbm>> -> memref<64x128xf32, #tpu.memory_space<hbm>>
    %dma_wait3A_306 = tpu.memref_slice %arg8[%rem3A_297] : memref<14x!tpu.dma_semaphore, #tpu.memory_space<semaphore_mem>> -> memref<1x!tpu.dma_semaphore, #tpu.memory_space<semaphore_mem>>
    %dma_wait3A_307 = tpu.memref_squeeze %dma_wait3A_306 : memref<1x!tpu.dma_semaphore, #tpu.memory_space<semaphore_mem>> -> memref<!tpu.dma_semaphore, #tpu.memory_space<semaphore_mem>>
    %dma_wait3A_308 = arith.constant 0 : i32
    %dma_wait3A_309 = tpu.memref_slice %arg4[%add3A_299, %dma_wait3A_308] : memref<204800x128xf32, #tpu.memory_space<hbm>> -> memref<64x128xf32, #tpu.memory_space<hbm>>
    %dma_wait3A_310 = arith.constant 0 : i32
    %dma_wait3A_311 = arith.constant 0 : i32
    %dma_wait3A_312 = tpu.memref_slice %arg6[%rem3A_297, %dma_wait3A_310, %dma_wait3A_311] : memref<14x64x128xf32, #tpu.memory_space<vmem>> -> memref<1x64x128xf32, #tpu.memory_space<vmem>>
    %dma_wait3A_313 = tpu.memref_squeeze %dma_wait3A_312 : memref<1x64x128xf32, #tpu.memory_space<vmem>> -> memref<64x128xf32, #tpu.memory_space<vmem>>
    tpu.wait_dma2 semaphore(%dma_wait3A_307 : memref<!tpu.dma_semaphore, #tpu.memory_space<semaphore_mem>>) src(%dma_wait3A_313 : memref<64x128xf32, #tpu.memory_space<vmem>>) dst(%dma_wait3A_309 : memref<64x128xf32, #tpu.memory_space<hbm>>)
    %rem3A_314 = arith.constant 89 : i32
    %rem3A_315 = arith.constant 14 : i32
    %rem3A_316 = arith.remsi %rem3A_314, %rem3A_315 : i32
    %add3A_317 = arith.constant 5696 : i32
    %add3A_318 = arith.addi %mul3A_2, %add3A_317 : i32
    %dma_wait3A_319 = arith.constant 0 : i32
    %dma_wait3A_320 = arith.constant 0 : i32
    %dma_wait3A_321 = tpu.memref_slice %arg6[%rem3A_316, %dma_wait3A_319, %dma_wait3A_320] : memref<14x64x128xf32, #tpu.memory_space<vmem>> -> memref<1x64x128xf32, #tpu.memory_space<vmem>>
    %dma_wait3A_322 = tpu.memref_squeeze %dma_wait3A_321 : memref<1x64x128xf32, #tpu.memory_space<vmem>> -> memref<64x128xf32, #tpu.memory_space<vmem>>
    %dma_wait3A_323 = arith.constant 0 : i32
    %dma_wait3A_324 = tpu.memref_slice %arg4[%add3A_318, %dma_wait3A_323] : memref<204800x128xf32, #tpu.memory_space<hbm>> -> memref<64x128xf32, #tpu.memory_space<hbm>>
    %dma_wait3A_325 = tpu.memref_slice %arg8[%rem3A_316] : memref<14x!tpu.dma_semaphore, #tpu.memory_space<semaphore_mem>> -> memref<1x!tpu.dma_semaphore, #tpu.memory_space<semaphore_mem>>
    %dma_wait3A_326 = tpu.memref_squeeze %dma_wait3A_325 : memref<1x!tpu.dma_semaphore, #tpu.memory_space<semaphore_mem>> -> memref<!tpu.dma_semaphore, #tpu.memory_space<semaphore_mem>>
    %dma_wait3A_327 = arith.constant 0 : i32
    %dma_wait3A_328 = tpu.memref_slice %arg4[%add3A_318, %dma_wait3A_327] : memref<204800x128xf32, #tpu.memory_space<hbm>> -> memref<64x128xf32, #tpu.memory_space<hbm>>
    %dma_wait3A_329 = arith.constant 0 : i32
    %dma_wait3A_330 = arith.constant 0 : i32
    %dma_wait3A_331 = tpu.memref_slice %arg6[%rem3A_316, %dma_wait3A_329, %dma_wait3A_330] : memref<14x64x128xf32, #tpu.memory_space<vmem>> -> memref<1x64x128xf32, #tpu.memory_space<vmem>>
    %dma_wait3A_332 = tpu.memref_squeeze %dma_wait3A_331 : memref<1x64x128xf32, #tpu.memory_space<vmem>> -> memref<64x128xf32, #tpu.memory_space<vmem>>
    tpu.wait_dma2 semaphore(%dma_wait3A_326 : memref<!tpu.dma_semaphore, #tpu.memory_space<semaphore_mem>>) src(%dma_wait3A_332 : memref<64x128xf32, #tpu.memory_space<vmem>>) dst(%dma_wait3A_328 : memref<64x128xf32, #tpu.memory_space<hbm>>)
    %rem3A_333 = arith.constant 90 : i32
    %rem3A_334 = arith.constant 14 : i32
    %rem3A_335 = arith.remsi %rem3A_333, %rem3A_334 : i32
    %add3A_336 = arith.constant 5760 : i32
    %add3A_337 = arith.addi %mul3A_2, %add3A_336 : i32
    %dma_wait3A_338 = arith.constant 0 : i32
    %dma_wait3A_339 = arith.constant 0 : i32
    %dma_wait3A_340 = tpu.memref_slice %arg6[%rem3A_335, %dma_wait3A_338, %dma_wait3A_339] : memref<14x64x128xf32, #tpu.memory_space<vmem>> -> memref<1x64x128xf32, #tpu.memory_space<vmem>>
    %dma_wait3A_341 = tpu.memref_squeeze %dma_wait3A_340 : memref<1x64x128xf32, #tpu.memory_space<vmem>> -> memref<64x128xf32, #tpu.memory_space<vmem>>
    %dma_wait3A_342 = arith.constant 0 : i32
    %dma_wait3A_343 = tpu.memref_slice %arg4[%add3A_337, %dma_wait3A_342] : memref<204800x128xf32, #tpu.memory_space<hbm>> -> memref<64x128xf32, #tpu.memory_space<hbm>>
    %dma_wait3A_344 = tpu.memref_slice %arg8[%rem3A_335] : memref<14x!tpu.dma_semaphore, #tpu.memory_space<semaphore_mem>> -> memref<1x!tpu.dma_semaphore, #tpu.memory_space<semaphore_mem>>
    %dma_wait3A_345 = tpu.memref_squeeze %dma_wait3A_344 : memref<1x!tpu.dma_semaphore, #tpu.memory_space<semaphore_mem>> -> memref<!tpu.dma_semaphore, #tpu.memory_space<semaphore_mem>>
    %dma_wait3A_346 = arith.constant 0 : i32
    %dma_wait3A_347 = tpu.memref_slice %arg4[%add3A_337, %dma_wait3A_346] : memref<204800x128xf32, #tpu.memory_space<hbm>> -> memref<64x128xf32, #tpu.memory_space<hbm>>
    %dma_wait3A_348 = arith.constant 0 : i32
    %dma_wait3A_349 = arith.constant 0 : i32
    %dma_wait3A_350 = tpu.memref_slice %arg6[%rem3A_335, %dma_wait3A_348, %dma_wait3A_349] : memref<14x64x128xf32, #tpu.memory_space<vmem>> -> memref<1x64x128xf32, #tpu.memory_space<vmem>>
    %dma_wait3A_351 = tpu.memref_squeeze %dma_wait3A_350 : memref<1x64x128xf32, #tpu.memory_space<vmem>> -> memref<64x128xf32, #tpu.memory_space<vmem>>
    tpu.wait_dma2 semaphore(%dma_wait3A_345 : memref<!tpu.dma_semaphore, #tpu.memory_space<semaphore_mem>>) src(%dma_wait3A_351 : memref<64x128xf32, #tpu.memory_space<vmem>>) dst(%dma_wait3A_347 : memref<64x128xf32, #tpu.memory_space<hbm>>)
    %rem3A_352 = arith.constant 91 : i32
    %rem3A_353 = arith.constant 14 : i32
    %rem3A_354 = arith.remsi %rem3A_352, %rem3A_353 : i32
    %add3A_355 = arith.constant 5824 : i32
    %add3A_356 = arith.addi %mul3A_2, %add3A_355 : i32
    %dma_wait3A_357 = arith.constant 0 : i32
    %dma_wait3A_358 = arith.constant 0 : i32
    %dma_wait3A_359 = tpu.memref_slice %arg6[%rem3A_354, %dma_wait3A_357, %dma_wait3A_358] : memref<14x64x128xf32, #tpu.memory_space<vmem>> -> memref<1x64x128xf32, #tpu.memory_space<vmem>>
    %dma_wait3A_360 = tpu.memref_squeeze %dma_wait3A_359 : memref<1x64x128xf32, #tpu.memory_space<vmem>> -> memref<64x128xf32, #tpu.memory_space<vmem>>
    %dma_wait3A_361 = arith.constant 0 : i32
    %dma_wait3A_362 = tpu.memref_slice %arg4[%add3A_356, %dma_wait3A_361] : memref<204800x128xf32, #tpu.memory_space<hbm>> -> memref<64x128xf32, #tpu.memory_space<hbm>>
    %dma_wait3A_363 = tpu.memref_slice %arg8[%rem3A_354] : memref<14x!tpu.dma_semaphore, #tpu.memory_space<semaphore_mem>> -> memref<1x!tpu.dma_semaphore, #tpu.memory_space<semaphore_mem>>
    %dma_wait3A_364 = tpu.memref_squeeze %dma_wait3A_363 : memref<1x!tpu.dma_semaphore, #tpu.memory_space<semaphore_mem>> -> memref<!tpu.dma_semaphore, #tpu.memory_space<semaphore_mem>>
    %dma_wait3A_365 = arith.constant 0 : i32
    %dma_wait3A_366 = tpu.memref_slice %arg4[%add3A_356, %dma_wait3A_365] : memref<204800x128xf32, #tpu.memory_space<hbm>> -> memref<64x128xf32, #tpu.memory_space<hbm>>
    %dma_wait3A_367 = arith.constant 0 : i32
    %dma_wait3A_368 = arith.constant 0 : i32
    %dma_wait3A_369 = tpu.memref_slice %arg6[%rem3A_354, %dma_wait3A_367, %dma_wait3A_368] : memref<14x64x128xf32, #tpu.memory_space<vmem>> -> memref<1x64x128xf32, #tpu.memory_space<vmem>>
    %dma_wait3A_370 = tpu.memref_squeeze %dma_wait3A_369 : memref<1x64x128xf32, #tpu.memory_space<vmem>> -> memref<64x128xf32, #tpu.memory_space<vmem>>
    tpu.wait_dma2 semaphore(%dma_wait3A_364 : memref<!tpu.dma_semaphore, #tpu.memory_space<semaphore_mem>>) src(%dma_wait3A_370 : memref<64x128xf32, #tpu.memory_space<vmem>>) dst(%dma_wait3A_366 : memref<64x128xf32, #tpu.memory_space<hbm>>)
    %rem3A_371 = arith.constant 92 : i32
    %rem3A_372 = arith.constant 14 : i32
    %rem3A_373 = arith.remsi %rem3A_371, %rem3A_372 : i32
    %add3A_374 = arith.constant 5888 : i32
    %add3A_375 = arith.addi %mul3A_2, %add3A_374 : i32
    %dma_wait3A_376 = arith.constant 0 : i32
    %dma_wait3A_377 = arith.constant 0 : i32
    %dma_wait3A_378 = tpu.memref_slice %arg6[%rem3A_373, %dma_wait3A_376, %dma_wait3A_377] : memref<14x64x128xf32, #tpu.memory_space<vmem>> -> memref<1x64x128xf32, #tpu.memory_space<vmem>>
    %dma_wait3A_379 = tpu.memref_squeeze %dma_wait3A_378 : memref<1x64x128xf32, #tpu.memory_space<vmem>> -> memref<64x128xf32, #tpu.memory_space<vmem>>
    %dma_wait3A_380 = arith.constant 0 : i32
    %dma_wait3A_381 = tpu.memref_slice %arg4[%add3A_375, %dma_wait3A_380] : memref<204800x128xf32, #tpu.memory_space<hbm>> -> memref<64x128xf32, #tpu.memory_space<hbm>>
    %dma_wait3A_382 = tpu.memref_slice %arg8[%rem3A_373] : memref<14x!tpu.dma_semaphore, #tpu.memory_space<semaphore_mem>> -> memref<1x!tpu.dma_semaphore, #tpu.memory_space<semaphore_mem>>
    %dma_wait3A_383 = tpu.memref_squeeze %dma_wait3A_382 : memref<1x!tpu.dma_semaphore, #tpu.memory_space<semaphore_mem>> -> memref<!tpu.dma_semaphore, #tpu.memory_space<semaphore_mem>>
    %dma_wait3A_384 = arith.constant 0 : i32
    %dma_wait3A_385 = tpu.memref_slice %arg4[%add3A_375, %dma_wait3A_384] : memref<204800x128xf32, #tpu.memory_space<hbm>> -> memref<64x128xf32, #tpu.memory_space<hbm>>
    %dma_wait3A_386 = arith.constant 0 : i32
    %dma_wait3A_387 = arith.constant 0 : i32
    %dma_wait3A_388 = tpu.memref_slice %arg6[%rem3A_373, %dma_wait3A_386, %dma_wait3A_387] : memref<14x64x128xf32, #tpu.memory_space<vmem>> -> memref<1x64x128xf32, #tpu.memory_space<vmem>>
    %dma_wait3A_389 = tpu.memref_squeeze %dma_wait3A_388 : memref<1x64x128xf32, #tpu.memory_space<vmem>> -> memref<64x128xf32, #tpu.memory_space<vmem>>
    tpu.wait_dma2 semaphore(%dma_wait3A_383 : memref<!tpu.dma_semaphore, #tpu.memory_space<semaphore_mem>>) src(%dma_wait3A_389 : memref<64x128xf32, #tpu.memory_space<vmem>>) dst(%dma_wait3A_385 : memref<64x128xf32, #tpu.memory_space<hbm>>)
    %rem3A_390 = arith.constant 93 : i32
    %rem3A_391 = arith.constant 14 : i32
    %rem3A_392 = arith.remsi %rem3A_390, %rem3A_391 : i32
    %add3A_393 = arith.constant 5952 : i32
    %add3A_394 = arith.addi %mul3A_2, %add3A_393 : i32
    %dma_wait3A_395 = arith.constant 0 : i32
    %dma_wait3A_396 = arith.constant 0 : i32
    %dma_wait3A_397 = tpu.memref_slice %arg6[%rem3A_392, %dma_wait3A_395, %dma_wait3A_396] : memref<14x64x128xf32, #tpu.memory_space<vmem>> -> memref<1x64x128xf32, #tpu.memory_space<vmem>>
    %dma_wait3A_398 = tpu.memref_squeeze %dma_wait3A_397 : memref<1x64x128xf32, #tpu.memory_space<vmem>> -> memref<64x128xf32, #tpu.memory_space<vmem>>
    %dma_wait3A_399 = arith.constant 0 : i32
    %dma_wait3A_400 = tpu.memref_slice %arg4[%add3A_394, %dma_wait3A_399] : memref<204800x128xf32, #tpu.memory_space<hbm>> -> memref<64x128xf32, #tpu.memory_space<hbm>>
    %dma_wait3A_401 = tpu.memref_slice %arg8[%rem3A_392] : memref<14x!tpu.dma_semaphore, #tpu.memory_space<semaphore_mem>> -> memref<1x!tpu.dma_semaphore, #tpu.memory_space<semaphore_mem>>
    %dma_wait3A_402 = tpu.memref_squeeze %dma_wait3A_401 : memref<1x!tpu.dma_semaphore, #tpu.memory_space<semaphore_mem>> -> memref<!tpu.dma_semaphore, #tpu.memory_space<semaphore_mem>>
    %dma_wait3A_403 = arith.constant 0 : i32
    %dma_wait3A_404 = tpu.memref_slice %arg4[%add3A_394, %dma_wait3A_403] : memref<204800x128xf32, #tpu.memory_space<hbm>> -> memref<64x128xf32, #tpu.memory_space<hbm>>
    %dma_wait3A_405 = arith.constant 0 : i32
    %dma_wait3A_406 = arith.constant 0 : i32
    %dma_wait3A_407 = tpu.memref_slice %arg6[%rem3A_392, %dma_wait3A_405, %dma_wait3A_406] : memref<14x64x128xf32, #tpu.memory_space<vmem>> -> memref<1x64x128xf32, #tpu.memory_space<vmem>>
    %dma_wait3A_408 = tpu.memref_squeeze %dma_wait3A_407 : memref<1x64x128xf32, #tpu.memory_space<vmem>> -> memref<64x128xf32, #tpu.memory_space<vmem>>
    tpu.wait_dma2 semaphore(%dma_wait3A_402 : memref<!tpu.dma_semaphore, #tpu.memory_space<semaphore_mem>>) src(%dma_wait3A_408 : memref<64x128xf32, #tpu.memory_space<vmem>>) dst(%dma_wait3A_404 : memref<64x128xf32, #tpu.memory_space<hbm>>)
    %rem3A_409 = arith.constant 94 : i32
    %rem3A_410 = arith.constant 14 : i32
    %rem3A_411 = arith.remsi %rem3A_409, %rem3A_410 : i32
    %add3A_412 = arith.constant 6016 : i32
    %add3A_413 = arith.addi %mul3A_2, %add3A_412 : i32
    %dma_wait3A_414 = arith.constant 0 : i32
    %dma_wait3A_415 = arith.constant 0 : i32
    %dma_wait3A_416 = tpu.memref_slice %arg6[%rem3A_411, %dma_wait3A_414, %dma_wait3A_415] : memref<14x64x128xf32, #tpu.memory_space<vmem>> -> memref<1x64x128xf32, #tpu.memory_space<vmem>>
    %dma_wait3A_417 = tpu.memref_squeeze %dma_wait3A_416 : memref<1x64x128xf32, #tpu.memory_space<vmem>> -> memref<64x128xf32, #tpu.memory_space<vmem>>
    %dma_wait3A_418 = arith.constant 0 : i32
    %dma_wait3A_419 = tpu.memref_slice %arg4[%add3A_413, %dma_wait3A_418] : memref<204800x128xf32, #tpu.memory_space<hbm>> -> memref<64x128xf32, #tpu.memory_space<hbm>>
    %dma_wait3A_420 = tpu.memref_slice %arg8[%rem3A_411] : memref<14x!tpu.dma_semaphore, #tpu.memory_space<semaphore_mem>> -> memref<1x!tpu.dma_semaphore, #tpu.memory_space<semaphore_mem>>
    %dma_wait3A_421 = tpu.memref_squeeze %dma_wait3A_420 : memref<1x!tpu.dma_semaphore, #tpu.memory_space<semaphore_mem>> -> memref<!tpu.dma_semaphore, #tpu.memory_space<semaphore_mem>>
    %dma_wait3A_422 = arith.constant 0 : i32
    %dma_wait3A_423 = tpu.memref_slice %arg4[%add3A_413, %dma_wait3A_422] : memref<204800x128xf32, #tpu.memory_space<hbm>> -> memref<64x128xf32, #tpu.memory_space<hbm>>
    %dma_wait3A_424 = arith.constant 0 : i32
    %dma_wait3A_425 = arith.constant 0 : i32
    %dma_wait3A_426 = tpu.memref_slice %arg6[%rem3A_411, %dma_wait3A_424, %dma_wait3A_425] : memref<14x64x128xf32, #tpu.memory_space<vmem>> -> memref<1x64x128xf32, #tpu.memory_space<vmem>>
    %dma_wait3A_427 = tpu.memref_squeeze %dma_wait3A_426 : memref<1x64x128xf32, #tpu.memory_space<vmem>> -> memref<64x128xf32, #tpu.memory_space<vmem>>
    tpu.wait_dma2 semaphore(%dma_wait3A_421 : memref<!tpu.dma_semaphore, #tpu.memory_space<semaphore_mem>>) src(%dma_wait3A_427 : memref<64x128xf32, #tpu.memory_space<vmem>>) dst(%dma_wait3A_423 : memref<64x128xf32, #tpu.memory_space<hbm>>)
    %rem3A_428 = arith.constant 95 : i32
    %rem3A_429 = arith.constant 14 : i32
    %rem3A_430 = arith.remsi %rem3A_428, %rem3A_429 : i32
    %add3A_431 = arith.constant 6080 : i32
    %add3A_432 = arith.addi %mul3A_2, %add3A_431 : i32
    %dma_wait3A_433 = arith.constant 0 : i32
    %dma_wait3A_434 = arith.constant 0 : i32
    %dma_wait3A_435 = tpu.memref_slice %arg6[%rem3A_430, %dma_wait3A_433, %dma_wait3A_434] : memref<14x64x128xf32, #tpu.memory_space<vmem>> -> memref<1x64x128xf32, #tpu.memory_space<vmem>>
    %dma_wait3A_436 = tpu.memref_squeeze %dma_wait3A_435 : memref<1x64x128xf32, #tpu.memory_space<vmem>> -> memref<64x128xf32, #tpu.memory_space<vmem>>
    %dma_wait3A_437 = arith.constant 0 : i32
    %dma_wait3A_438 = tpu.memref_slice %arg4[%add3A_432, %dma_wait3A_437] : memref<204800x128xf32, #tpu.memory_space<hbm>> -> memref<64x128xf32, #tpu.memory_space<hbm>>
    %dma_wait3A_439 = tpu.memref_slice %arg8[%rem3A_430] : memref<14x!tpu.dma_semaphore, #tpu.memory_space<semaphore_mem>> -> memref<1x!tpu.dma_semaphore, #tpu.memory_space<semaphore_mem>>
    %dma_wait3A_440 = tpu.memref_squeeze %dma_wait3A_439 : memref<1x!tpu.dma_semaphore, #tpu.memory_space<semaphore_mem>> -> memref<!tpu.dma_semaphore, #tpu.memory_space<semaphore_mem>>
    %dma_wait3A_441 = arith.constant 0 : i32
    %dma_wait3A_442 = tpu.memref_slice %arg4[%add3A_432, %dma_wait3A_441] : memref<204800x128xf32, #tpu.memory_space<hbm>> -> memref<64x128xf32, #tpu.memory_space<hbm>>
    %dma_wait3A_443 = arith.constant 0 : i32
    %dma_wait3A_444 = arith.constant 0 : i32
    %dma_wait3A_445 = tpu.memref_slice %arg6[%rem3A_430, %dma_wait3A_443, %dma_wait3A_444] : memref<14x64x128xf32, #tpu.memory_space<vmem>> -> memref<1x64x128xf32, #tpu.memory_space<vmem>>
    %dma_wait3A_446 = tpu.memref_squeeze %dma_wait3A_445 : memref<1x64x128xf32, #tpu.memory_space<vmem>> -> memref<64x128xf32, #tpu.memory_space<vmem>>
    tpu.wait_dma2 semaphore(%dma_wait3A_440 : memref<!tpu.dma_semaphore, #tpu.memory_space<semaphore_mem>>) src(%dma_wait3A_446 : memref<64x128xf32, #tpu.memory_space<vmem>>) dst(%dma_wait3A_442 : memref<64x128xf32, #tpu.memory_space<hbm>>)
    %rem3A_447 = arith.constant 96 : i32
    %rem3A_448 = arith.constant 14 : i32
    %rem3A_449 = arith.remsi %rem3A_447, %rem3A_448 : i32
    %add3A_450 = arith.constant 6144 : i32
    %add3A_451 = arith.addi %mul3A_2, %add3A_450 : i32
    %dma_wait3A_452 = arith.constant 0 : i32
    %dma_wait3A_453 = arith.constant 0 : i32
    %dma_wait3A_454 = tpu.memref_slice %arg6[%rem3A_449, %dma_wait3A_452, %dma_wait3A_453] : memref<14x64x128xf32, #tpu.memory_space<vmem>> -> memref<1x64x128xf32, #tpu.memory_space<vmem>>
    %dma_wait3A_455 = tpu.memref_squeeze %dma_wait3A_454 : memref<1x64x128xf32, #tpu.memory_space<vmem>> -> memref<64x128xf32, #tpu.memory_space<vmem>>
    %dma_wait3A_456 = arith.constant 0 : i32
    %dma_wait3A_457 = tpu.memref_slice %arg4[%add3A_451, %dma_wait3A_456] : memref<204800x128xf32, #tpu.memory_space<hbm>> -> memref<64x128xf32, #tpu.memory_space<hbm>>
    %dma_wait3A_458 = tpu.memref_slice %arg8[%rem3A_449] : memref<14x!tpu.dma_semaphore, #tpu.memory_space<semaphore_mem>> -> memref<1x!tpu.dma_semaphore, #tpu.memory_space<semaphore_mem>>
    %dma_wait3A_459 = tpu.memref_squeeze %dma_wait3A_458 : memref<1x!tpu.dma_semaphore, #tpu.memory_space<semaphore_mem>> -> memref<!tpu.dma_semaphore, #tpu.memory_space<semaphore_mem>>
    %dma_wait3A_460 = arith.constant 0 : i32
    %dma_wait3A_461 = tpu.memref_slice %arg4[%add3A_451, %dma_wait3A_460] : memref<204800x128xf32, #tpu.memory_space<hbm>> -> memref<64x128xf32, #tpu.memory_space<hbm>>
    %dma_wait3A_462 = arith.constant 0 : i32
    %dma_wait3A_463 = arith.constant 0 : i32
    %dma_wait3A_464 = tpu.memref_slice %arg6[%rem3A_449, %dma_wait3A_462, %dma_wait3A_463] : memref<14x64x128xf32, #tpu.memory_space<vmem>> -> memref<1x64x128xf32, #tpu.memory_space<vmem>>
    %dma_wait3A_465 = tpu.memref_squeeze %dma_wait3A_464 : memref<1x64x128xf32, #tpu.memory_space<vmem>> -> memref<64x128xf32, #tpu.memory_space<vmem>>
    tpu.wait_dma2 semaphore(%dma_wait3A_459 : memref<!tpu.dma_semaphore, #tpu.memory_space<semaphore_mem>>) src(%dma_wait3A_465 : memref<64x128xf32, #tpu.memory_space<vmem>>) dst(%dma_wait3A_461 : memref<64x128xf32, #tpu.memory_space<hbm>>)
    %rem3A_466 = arith.constant 97 : i32
    %rem3A_467 = arith.constant 14 : i32
    %rem3A_468 = arith.remsi %rem3A_466, %rem3A_467 : i32
    %add3A_469 = arith.constant 6208 : i32
    %add3A_470 = arith.addi %mul3A_2, %add3A_469 : i32
    %dma_wait3A_471 = arith.constant 0 : i32
    %dma_wait3A_472 = arith.constant 0 : i32
    %dma_wait3A_473 = tpu.memref_slice %arg6[%rem3A_468, %dma_wait3A_471, %dma_wait3A_472] : memref<14x64x128xf32, #tpu.memory_space<vmem>> -> memref<1x64x128xf32, #tpu.memory_space<vmem>>
    %dma_wait3A_474 = tpu.memref_squeeze %dma_wait3A_473 : memref<1x64x128xf32, #tpu.memory_space<vmem>> -> memref<64x128xf32, #tpu.memory_space<vmem>>
    %dma_wait3A_475 = arith.constant 0 : i32
    %dma_wait3A_476 = tpu.memref_slice %arg4[%add3A_470, %dma_wait3A_475] : memref<204800x128xf32, #tpu.memory_space<hbm>> -> memref<64x128xf32, #tpu.memory_space<hbm>>
    %dma_wait3A_477 = tpu.memref_slice %arg8[%rem3A_468] : memref<14x!tpu.dma_semaphore, #tpu.memory_space<semaphore_mem>> -> memref<1x!tpu.dma_semaphore, #tpu.memory_space<semaphore_mem>>
    %dma_wait3A_478 = tpu.memref_squeeze %dma_wait3A_477 : memref<1x!tpu.dma_semaphore, #tpu.memory_space<semaphore_mem>> -> memref<!tpu.dma_semaphore, #tpu.memory_space<semaphore_mem>>
    %dma_wait3A_479 = arith.constant 0 : i32
    %dma_wait3A_480 = tpu.memref_slice %arg4[%add3A_470, %dma_wait3A_479] : memref<204800x128xf32, #tpu.memory_space<hbm>> -> memref<64x128xf32, #tpu.memory_space<hbm>>
    %dma_wait3A_481 = arith.constant 0 : i32
    %dma_wait3A_482 = arith.constant 0 : i32
    %dma_wait3A_483 = tpu.memref_slice %arg6[%rem3A_468, %dma_wait3A_481, %dma_wait3A_482] : memref<14x64x128xf32, #tpu.memory_space<vmem>> -> memref<1x64x128xf32, #tpu.memory_space<vmem>>
    %dma_wait3A_484 = tpu.memref_squeeze %dma_wait3A_483 : memref<1x64x128xf32, #tpu.memory_space<vmem>> -> memref<64x128xf32, #tpu.memory_space<vmem>>
    tpu.wait_dma2 semaphore(%dma_wait3A_478 : memref<!tpu.dma_semaphore, #tpu.memory_space<semaphore_mem>>) src(%dma_wait3A_484 : memref<64x128xf32, #tpu.memory_space<vmem>>) dst(%dma_wait3A_480 : memref<64x128xf32, #tpu.memory_space<hbm>>)
    %rem3A_485 = arith.constant 98 : i32
    %rem3A_486 = arith.constant 14 : i32
    %rem3A_487 = arith.remsi %rem3A_485, %rem3A_486 : i32
    %add3A_488 = arith.constant 6272 : i32
    %add3A_489 = arith.addi %mul3A_2, %add3A_488 : i32
    %dma_wait3A_490 = arith.constant 0 : i32
    %dma_wait3A_491 = arith.constant 0 : i32
    %dma_wait3A_492 = tpu.memref_slice %arg6[%rem3A_487, %dma_wait3A_490, %dma_wait3A_491] : memref<14x64x128xf32, #tpu.memory_space<vmem>> -> memref<1x64x128xf32, #tpu.memory_space<vmem>>
    %dma_wait3A_493 = tpu.memref_squeeze %dma_wait3A_492 : memref<1x64x128xf32, #tpu.memory_space<vmem>> -> memref<64x128xf32, #tpu.memory_space<vmem>>
    %dma_wait3A_494 = arith.constant 0 : i32
    %dma_wait3A_495 = tpu.memref_slice %arg4[%add3A_489, %dma_wait3A_494] : memref<204800x128xf32, #tpu.memory_space<hbm>> -> memref<64x128xf32, #tpu.memory_space<hbm>>
    %dma_wait3A_496 = tpu.memref_slice %arg8[%rem3A_487] : memref<14x!tpu.dma_semaphore, #tpu.memory_space<semaphore_mem>> -> memref<1x!tpu.dma_semaphore, #tpu.memory_space<semaphore_mem>>
    %dma_wait3A_497 = tpu.memref_squeeze %dma_wait3A_496 : memref<1x!tpu.dma_semaphore, #tpu.memory_space<semaphore_mem>> -> memref<!tpu.dma_semaphore, #tpu.memory_space<semaphore_mem>>
    %dma_wait3A_498 = arith.constant 0 : i32
    %dma_wait3A_499 = tpu.memref_slice %arg4[%add3A_489, %dma_wait3A_498] : memref<204800x128xf32, #tpu.memory_space<hbm>> -> memref<64x128xf32, #tpu.memory_space<hbm>>
    %dma_wait3A_500 = arith.constant 0 : i32
    %dma_wait3A_501 = arith.constant 0 : i32
    %dma_wait3A_502 = tpu.memref_slice %arg6[%rem3A_487, %dma_wait3A_500, %dma_wait3A_501] : memref<14x64x128xf32, #tpu.memory_space<vmem>> -> memref<1x64x128xf32, #tpu.memory_space<vmem>>
    %dma_wait3A_503 = tpu.memref_squeeze %dma_wait3A_502 : memref<1x64x128xf32, #tpu.memory_space<vmem>> -> memref<64x128xf32, #tpu.memory_space<vmem>>
    tpu.wait_dma2 semaphore(%dma_wait3A_497 : memref<!tpu.dma_semaphore, #tpu.memory_space<semaphore_mem>>) src(%dma_wait3A_503 : memref<64x128xf32, #tpu.memory_space<vmem>>) dst(%dma_wait3A_499 : memref<64x128xf32, #tpu.memory_space<hbm>>)
    %rem3A_504 = arith.constant 99 : i32
    %rem3A_505 = arith.constant 14 : i32
    %rem3A_506 = arith.remsi %rem3A_504, %rem3A_505 : i32
    %add3A_507 = arith.constant 6336 : i32
    %add3A_508 = arith.addi %mul3A_2, %add3A_507 : i32
    %dma_wait3A_509 = arith.constant 0 : i32
    %dma_wait3A_510 = arith.constant 0 : i32
    %dma_wait3A_511 = tpu.memref_slice %arg6[%rem3A_506, %dma_wait3A_509, %dma_wait3A_510] : memref<14x64x128xf32, #tpu.memory_space<vmem>> -> memref<1x64x128xf32, #tpu.memory_space<vmem>>
    %dma_wait3A_512 = tpu.memref_squeeze %dma_wait3A_511 : memref<1x64x128xf32, #tpu.memory_space<vmem>> -> memref<64x128xf32, #tpu.memory_space<vmem>>
    %dma_wait3A_513 = arith.constant 0 : i32
    %dma_wait3A_514 = tpu.memref_slice %arg4[%add3A_508, %dma_wait3A_513] : memref<204800x128xf32, #tpu.memory_space<hbm>> -> memref<64x128xf32, #tpu.memory_space<hbm>>
    %dma_wait3A_515 = tpu.memref_slice %arg8[%rem3A_506] : memref<14x!tpu.dma_semaphore, #tpu.memory_space<semaphore_mem>> -> memref<1x!tpu.dma_semaphore, #tpu.memory_space<semaphore_mem>>
    %dma_wait3A_516 = tpu.memref_squeeze %dma_wait3A_515 : memref<1x!tpu.dma_semaphore, #tpu.memory_space<semaphore_mem>> -> memref<!tpu.dma_semaphore, #tpu.memory_space<semaphore_mem>>
    %dma_wait3A_517 = arith.constant 0 : i32
    %dma_wait3A_518 = tpu.memref_slice %arg4[%add3A_508, %dma_wait3A_517] : memref<204800x128xf32, #tpu.memory_space<hbm>> -> memref<64x128xf32, #tpu.memory_space<hbm>>
    %dma_wait3A_519 = arith.constant 0 : i32
    %dma_wait3A_520 = arith.constant 0 : i32
    %dma_wait3A_521 = tpu.memref_slice %arg6[%rem3A_506, %dma_wait3A_519, %dma_wait3A_520] : memref<14x64x128xf32, #tpu.memory_space<vmem>> -> memref<1x64x128xf32, #tpu.memory_space<vmem>>
    %dma_wait3A_522 = tpu.memref_squeeze %dma_wait3A_521 : memref<1x64x128xf32, #tpu.memory_space<vmem>> -> memref<64x128xf32, #tpu.memory_space<vmem>>
    tpu.wait_dma2 semaphore(%dma_wait3A_516 : memref<!tpu.dma_semaphore, #tpu.memory_space<semaphore_mem>>) src(%dma_wait3A_522 : memref<64x128xf32, #tpu.memory_space<vmem>>) dst(%dma_wait3A_518 : memref<64x128xf32, #tpu.memory_space<hbm>>)
    return
  }
}

</mosaic_0001>

<sc_bundles>
// kernel: kernel.3.cloned.1.call-start
scs
__scs_entry_jumppad:
0x0: {  	(pc) =	sbr.rel $0x88, $3  }
0x1: {  	(tag) =	ssettag $0x0;
	lr =	simm.s32 $0x1  }
0x2: {  	[smem:$0x3F9F] =	sst lr;
	_ =	strace $0xD0000000  }
0x3: {  	_ = 	snop  }
0x4: {  	_ = 	snop  }
0x5: {  	_ = 	snop  }
0x6: {  	_ = 	snop  }
0x7: {  	_ = 	snop  }
__scs_overlays_trampoline_lowered:
0x8: {  	[smem:$0x3FAE] =	sst s0  }
0x9: {  	[smem:$0x3FAF] =	sst s1  }
0xa: {  	[smem:$0x3FB0] =	sst s2  }
0xb: {  	[smem:$0x3FB1] =	sst s3  }
0xc: {  	[smem:$0x3FB2] =	sst s4  }
0xd: {  	[smem:$0x3FB3] =	sst s5  }
0xe: {  	[smem:$0x3FB4] =	sst s6  }
0xf: {  	[smem:$0x3FB5] =	sst s7  }
0x10: {  	[smem:$0x3FB6] =	sst s8  }
0x11: {  	[smem:$0x3FB7] =	sst s9;
	s0 =	simm.s32 @!p0 $0x0  }
0x12: {  	s1 =	sld [smem:$0x3F9D];
	s0 =	simm.s32 @p0 $0x1  }
0x13: {  	[smem:$0x3FB8] =	sst s0;
	s0 =	simm.s32 @!p1 $0x0  }
0x14: {  	s2 =	sld [smem:$0x3F9C];
	s0 =	simm.s32 @p1 $0x1  }
0x15: {  	[smem:$0x3FB9] =	sst s0;
	s0 =	simm.s32 @!p2 $0x0  }
0x16: {  	s3 =	sld [smem:$0x3FDB];
	s0 =	simm.s32 @p2 $0x1  }
0x17: {  	s4 =	simm.s32 $0x1BF5;
	[smem:$0x3FBB] =	sst s0  }
0x18: {  	s0 =	sld [smem:$0x3F9E];
	_ =	swait.ge [sflag:s4], $0x0  }
0x19: {  	s7 =	sld [smem:$0x3F9F]  }
0x1a: {  	s8 =	sadd.s32 $0xFFFFE003, lr  }
0x1b: {  	s9 =	sadd.s32 $0xFFFFFEF7, lr;
	s5 =	simm.s32 $0xFFFFFFFF;
	p2 =	slt.u32 s8, $0xFFFFF086  }
0x1c: {  	p1 =	slt.u32 s9, $0xF7A;
	s5 =	simm.s32 @!p2 $0x0  }
0x1d: {  	s5 =	simm.s32 @p1 $0x1;
	p0 =	seq.s32 s7, s2  }
0x1e: {  	s7 =	smul.u32 @!p0 $0xF7A, s2;
	p2 =	seq.s32 @!p0 s5, $0x0  }
0x1f: {  	s9 =	smul.u32 $0xF7A, s1;
	s8 =	simm.s32 @!p0 $0x1BF5;
	p2 =	por !p2, p0  }
0x20: {  	[sflag:s8] =	ssyncset.s32 @!p0 $0xFFFFF086;
	s6 =	sadd.s32 @!p0 s3, s7;
	s7 =	simm.s32 @!p0 $0x108  }
0x21: {  	s3 =	sadd.s32 s3, s9;
	s6 =	sadd.s32 @!p0 $0x88, s6;
	s7 =	simm.s32 @p2 $0x1082  }
0x22: {  	[simem:s7], [sflag:s8] =	dma.local @!p0 [hbm:s6], $0xF7A  }
0x23: {  	s9 =	sor.u32 $0xD0000000, s2;
	s6 =	simm.s32 $0x108;
	_ =	swait.ge @!p0 [sflag:s8], $0x0  }
0x24: {  	s3 =	sadd.s32 $0x88, s3;
	s6 =	simm.s32 @!p1 $0x1082;
	[sflag:s4] =	ssyncset.s32 $0xFFFFF086  }
0x25: {  	[simem:s6], [sflag:s4] =	dma.local [hbm:s3], $0xF7A  }
0x26: {  	[smem:$0x3F9F] =	sst s1;
	(tag) =	ssettag s2;
	_ =	strace s9  }
0x27: {  	s1 =	sld [smem:$0x3FAF]  }
0x28: {  	s2 =	sld [smem:$0x3FB0]  }
0x29: {  	s4 =	sld [smem:$0x3FB2]  }
0x2a: {  	p0 =	seq.s32 s5, $0x0;
	s5 =	sld [smem:$0x3FB3]  }
0x2b: {  	s6 =	sld [smem:$0x3FB4]  }
0x2c: {  	s7 =	sld [smem:$0x3FB5]  }
0x2d: {  	s3 =	simm.s32 $0x108;
	s8 =	sld [smem:$0x3FB6]  }
0x2e: {  	s3 =	simm.s32 @!p0 $0x1082;
	s9 =	sld [smem:$0x3FB7]  }
0x2f: {  	lr =	sadd.s32 s0, s3;
	s0 =	sld [smem:$0x3FAE]  }
0x30: {  	s3 =	sld [smem:$0x3FB1]  }
0x31: {  	[smem:$0x3FBA] =	sst s10  }
0x32: {  	s10 =	sld [smem:$0x3FB8];
	_ =	sdelay $0x3  }
0x33: {  	p0 =	seq.s32 s10, $0x1;
	s10 =	sld [smem:$0x3FBA];
	_ =	sdelay $0x3  }
0x34: {  	[smem:$0x3FBA] =	sst s10  }
0x35: {  	s10 =	sld [smem:$0x3FB9];
	_ =	sdelay $0x3  }
0x36: {  	p1 =	seq.s32 s10, $0x1;
	s10 =	sld [smem:$0x3FBA];
	_ =	sdelay $0x3  }
0x37: {  	[smem:$0x3FBA] =	sst s10  }
0x38: {  	s10 =	sld [smem:$0x3FBB]  }
0x39: {  	_ = 	snop;
	(pc) =	sbr.ind lr, $3  }
0x3a: {  	_ = 	snop  }
0x3b: {  	_ = 	snop  }
0x3c: {  	p2 =	seq.s32 s10, $0x1;
	s10 =	sld [smem:$0x3FBA]  }
0x3d: {  	_ =	shalt  }
0x3e: {  	_ =	shalt  }
0x3f: {  	_ =	shalt  }
0x40: {  	_ =	shalt  }
0x41: {  	_ =	shalt  }
0x42: {  	_ =	shalt  }
0x43: {  	_ =	shalt  }
0x44: {  	_ =	shalt  }
0x45: {  	_ =	shalt  }
0x46: {  	_ =	shalt  }
0x47: {  	_ =	shalt  }
0x48: {  	_ =	shalt  }
0x49: {  	_ =	shalt  }
0x4a: {  	_ =	shalt  }
0x4b: {  	_ =	shalt  }
0x4c: {  	_ =	shalt  }
0x4d: {  	_ =	shalt  }
0x4e: {  	_ =	shalt  }
0x4f: {  	_ =	shalt  }
0x50: {  	_ =	shalt  }
0x51: {  	_ =	shalt  }
0x52: {  	_ =	shalt  }
0x53: {  	_ =	shalt  }
0x54: {  	_ =	shalt  }
0x55: {  	_ =	shalt  }
0x56: {  	_ =	shalt  }
0x57: {  	_ =	shalt  }
0x58: {  	_ =	shalt  }
0x59: {  	_ =	shalt  }
0x5a: {  	_ =	shalt  }
0x5b: {  	_ =	shalt  }
0x5c: {  	_ =	shalt  }
0x5d: {  	_ =	shalt  }
0x5e: {  	_ =	shalt  }
0x5f: {  	_ =	shalt  }
0x60: {  	_ =	shalt  }
0x61: {  	_ =	shalt  }
0x62: {  	_ =	shalt  }
0x63: {  	_ =	shalt  }
0x64: {  	_ =	shalt  }
0x65: {  	_ =	shalt  }
0x66: {  	_ =	shalt  }
0x67: {  	_ =	shalt  }
0x68: {  	_ =	shalt  }
0x69: {  	_ =	shalt  }
0x6a: {  	_ =	shalt  }
0x6b: {  	_ =	shalt  }
0x6c: {  	_ =	shalt  }
0x6d: {  	_ =	shalt  }
0x6e: {  	_ =	shalt  }
0x6f: {  	_ =	shalt  }
0x70: {  	_ =	shalt  }
0x71: {  	_ =	shalt  }
0x72: {  	_ =	shalt  }
0x73: {  	_ =	shalt  }
0x74: {  	_ =	shalt  }
0x75: {  	_ =	shalt  }
0x76: {  	_ =	shalt  }
0x77: {  	_ =	shalt  }
0x78: {  	_ =	shalt  }
0x79: {  	_ =	shalt  }
0x7a: {  	_ =	shalt  }
0x7b: {  	_ =	shalt  }
0x7c: {  	_ =	shalt  }
0x7d: {  	_ =	shalt  }
0x7e: {  	_ =	shalt  }
0x7f: {  	_ =	shalt  }
0x80: {  	_ =	shalt  }
0x81: {  	_ =	shalt  }
0x82: {  	_ =	shalt  }
0x83: {  	_ =	shalt  }
0x84: {  	_ =	shalt  }
0x85: {  	_ =	shalt  }
0x86: {  	_ =	shalt  }
0x87: {  	_ =	shalt  }
.Lfunc_end0:
.L_simem_size_0:
called_computation_lowered:
.L_overlay_start_0:
0x88: {  	s2 =	sld [smem:$0x3FD9]  }
0x89: {  	s3 =	sld [smem:$0x3FFE];
	_ =	sdelay $0x1  }
0x8a: {  	s1 =	srdreg.scid  }
0x8b: {  	s0 =	sand.u32 $0x1, s1  }
0x8c: {  	s17 =	sshll.u32 s0, $0xA;
	s2 =	sadd.s32 s3, s2  }
0x8d: {  	s2 =	sadd.s32 s2, s17  }
0x8e: {  	[smem:$0x3FC6] =	sst s2  }
0x8f: {  	_ = 	snop  }
0x90: {  	s2 =	sld [smem:$0x3FC8]  }
0x91: {  	s18 =	sld [smem:$0x3FD0];
	(tm) =	ssettm $0x1  }
0x92: {  	s4 =	sld [smem:$0x3FFB];
	_ =	sdelay $0x3  }
0x93: {  	_ =	strace s4  }
0x94: {  	s4 =	sld [smem:$0x3FFC];
	_ =	sdelay $0x3  }
0x95: {  	_ =	strace s4  }
0x96: {  	s4 =	sld [smem:$0x3FFD];
	_ =	sdelay $0x3  }
0x97: {  	_ =	strace s4  }
0x98: {  	_ =	strace $0x8FFFFFFF  }
0x99: {  	s19 =	sld [smem:$0x3FDB];
	_ =	sdelay $0x1  }
0x9a: {  	s5 =	simm.s32 $_scs_section_size  }
0x9b: {  	s6 =	simm.s32 $_size__tile_overlayer_lowered;
	s7 =	simm.s32 $_tile_overlayer_lowered  }
0x9c: {  	s22 =	simm.s32 $0x1BFF;
	s21 =	sshll.u32 s7, $0x1;
	s4 =	sadd.s32 s5, s19  }
0x9d: {  	s8 =	simm.s32 $0x0;
	s20 =	sshll.u32 s6, $0x1;
	s6 =	sadd.s32 s21, s4  }
0x9e: {  	[timem:s8], [sflag:s22] =	dma.local [hbm:s6], s20  }
0x9f: {  	_ =	swait.ge [sflag:s22], s20  }
0xa0: {  	s5 =	ssub.s32 $0x0, s20;
	[sflag:s22] =	ssyncset.done $0x0  }
0xa1: {  	[sflag:s22] =	ssyncadd.s32 s5;
	_ =	sdelay $0x1  }
0xa2: {  	s23 =	simm.s32 $0x1B8B  }
0xa3: {  	_ =	swait.ge [sflag:s23], $0x1  }
0xa4: {  	[sflag:s23] =	ssyncset.done $0x0  }
0xa5: {  	s25 =	simm.s32 $0x1B8E;
	s24 =	sld [smem:$0x3FFE];
	[sflag:s23] =	ssyncadd.s32 $0xFFFFFFFF  }
0xa6: {  	s26 =	simm.s32 $execute0_lowered;
	[smem:$0x3FD2] =	sst s25  }
0xa7: {  	s6 =	sshll.u32 s26, $0x1;
	_ =	strace $0x80000046;
	[dreg:$0x1] =	wrdreg $0xFFFFFFFF  }
0xa8: {  	s28 =	simm.s32 $_size_execute0_lowered;
	s4 =	sadd.s32 s4, s6;
	[dreg:$0x0] =	wrdreg $0x0  }
0xa9: {  	s6 =	sshll.u32 s28, $0x1;
	[dreg:$0x2] =	wrdreg s4  }
0xaa: {  	[dreg:$0x3] =	wrdreg s6  }
0xab: {  	[dreg:$0x4] =	wrdreg $0xC0  }
0xac: {  	_ =	task [dreg:s8], $0x5FFFF  }
0xad: {  	[dreg:$0x1] =	wrdreg $0xFFFFFFFF  }
0xae: {  	[dreg:$0x0] =	wrdreg $0x60  }
0xaf: {  	[dreg:$0x2] =	wrdreg s24  }
0xb0: {  	[dreg:$0x3] =	wrdreg s2  }
0xb1: {  	[dreg:$0x4] =	wrdreg s18  }
0xb2: {  	[dreg:$0x5] =	wrdreg $0x9  }
0xb3: {  	_ =	task.clear_ibuf [dreg:s8], $0x6FFFF;
	_ =	strace $0x90000046  }
0xb4: {  	s29 =	simm.s32 $0x9;
	_ =	strace $0x80000048  }
0xb5: {  	_ =	swait.ge [sflag:s29], $0x1  }
0xb6: {  	[sflag:s29] =	ssyncadd.s32 $0xFFFFFFFF  }
0xb7: {  	_ =	strace $0x90000048  }
0xb8: {  	_ =	sfence  }
0xb9: {  	s30 =	sld [smem:$0x0];
	_ =	sdelay $0x2  }
0xba: {  	s31 =	sshll.u32 s1, $0xD;
	s1 =	sshrl.u32 s1, $0x2  }
0xbb: {  	s3 =	sand.u32 $0x4000, s31;
	s1 =	sadd.s32 s1, s30  }
0xbc: {  	s0 =	sor.u32 s3, s0;
	s1 =	sshll.u32 s1, $0x11  }
0xbd: {  	s0 =	sor.u32 s1, s0  }
0xbe: {  	s0 =	sadd.s32 $0x8F2B, s0  }
0xbf: {  	[sflag:s0] =	ssyncadd.remote.s32 $0x1  }
0xc0: {  	_ =	sfence.sel $0xFFFF  }
0xc1: {  	[dreg:$0x0] =	wrdreg $0xFFFFFFFF;
	(pc) =	sbr.abs _section_cstart, $3  }
0xc2: {  	[dreg:$0x1] =	wrdreg $0xFFFFFFFF  }
0xc3: {  	_ =	task.clear_ibuf [dreg:s8], $0x2FFFF;
	_ =	strace $0x9FFFFFFF  }
0xc4: {  	(tm) =	ssettm $0x7FFFFFFF  }
0xc5: {  	_ =	shalt  }
tec
execute0_lowered:
.L_overlay_start_1:
0x0: {  	(tag) =	ssettag $0x1  }
0x1: {  	s1 =	rddreg [dreg:$0x0]  }
0x2: {  	s0 =	srdreg.scid;
	s2 =	rddreg [dreg:$0x1]  }
0x3: {  	s5 =	stileid.u32;
	s6 =	rddreg [dreg:$0x2]  }
0x4: {  	s12 =	simm.s32 $0x11;
	s13 =	simm.s32 $0x12;
	s14 =	simm.s32 $0x13  }
0x5: {  	s15 =	simm.s32 $0x14;
	s16 =	simm.s32 $0x15;
	s17 =	simm.s32 $0x16  }
0x6: {  	s18 =	simm.s32 $0x17;
	s19 =	simm.s32 $0x18;
	s20 =	simm.s32 $0x19  }
0x7: {  	s21 =	simm.s32 $0x1A;
	s22 =	simm.s32 $0x1B;
	s23 =	simm.s32 $0x1C  }
0x8: {  	s24 =	simm.s32 $0xF;
	s25 =	simm.s32 $0x10;
	s26 =	simm.s32 $0x0  }
0x9: {  	s0 =	sand.u32 $0x1, s0;
	s3 =	sshll.u32 s5, $0x1;
	s5 =	smul.u32 $0x190000, s5  }
0xa: {  	s3 =	sor.u32 s0, s3;
	s7 =	ssub.s32 $0x2, s0;
	s0 =	smul.u32 $0xC8000, s0  }
0xb: {  	s4 =	smul.u32 $0x680, s3;
	s3 =	simm.s32 $0x0;
	s8 =	sshrl.u32 s7, $0x1  }
0xc: {  	[smem:$0x7FF] =	sst s3;
	s7 =	ssub.s32 s7, s8;
	s0 =	sadd.s32 s0, s5  }
0xd: {  	_ =	strace $0x80000047;
	s1 =	sadd.s32 s4, s1;
	s31 =	smax.u32 s7, $0x1  }
0xe: {  	s0 =	sshrl.u32 s0, $0x3;
	s1 =	sadd.s32 $0x400, s1;
	[dreg:$0x5] =	wrdreg s31  }
0xf: {  	s8 =	simm.s32 $0x40;
	s6 =	sadd.s32 s0, s6;
	[dreg:$0x4] =	wrdreg s1  }
.LBB2_1:
0x10: {  	s0 =	rddreg [dreg:$0x4];
	s9 =	simm.s32 $0x1D  }
0x11: {  	[tilespmem:s3], [sflag:$0x1D] =	stream.linear.gather [hbm4b:s0+s3], $0x3200, $0x38;
	[tilespmem:$0x1F400] =	vst v63  }
0x12: {  	_ =	swait.ge [sflag:s9], $0x3200  }
0x13: {  	[sflag:s9] =	ssyncset.done $0x0  }
0x14: {  	s10 =	simm.s32 $0x3400;
	[sflag:s9] =	ssyncadd.s32 $0xFFFFCE00  }
0x15: {  	[tilespmem:s10], [sflag:$0x1] =	stream.indirect.gather [hbm4b:s2+s8], $0x80, s3, s8, $0xb8;
	[tilespmem:$0x1F400] =	vst v63  }
0x16: {  	s11 =	simm.s32 $0x80;
	s1 =	simm.s32 $0x5400  }
0x17: {  	[tilespmem:s1], [sflag:$0x2] =	stream.indirect.gather [hbm4b:s2+s8], $0x80, s11, s8, $0xb8;
	[tilespmem:$0x1F400] =	vst v63  }
0x18: {  	s4 =	simm.s32 $0x100;
	s5 =	simm.s32 $0x7400  }
0x19: {  	[tilespmem:s5], [sflag:$0x3] =	stream.indirect.gather [hbm4b:s2+s8], $0x80, s4, s8, $0xb8;
	[tilespmem:$0x1F400] =	vst v63  }
0x1a: {  	s7 =	simm.s32 $0x180;
	s9 =	simm.s32 $0x9400  }
0x1b: {  	[tilespmem:s9], [sflag:$0x4] =	stream.indirect.gather [hbm4b:s2+s8], $0x80, s7, s8, $0xb8;
	[tilespmem:$0x1F400] =	vst v63  }
0x1c: {  	s10 =	simm.s32 $0x200;
	s11 =	simm.s32 $0xB400  }
0x1d: {  	[tilespmem:s11], [sflag:$0x5] =	stream.indirect.gather [hbm4b:s2+s8], $0x80, s10, s8, $0xb8;
	[tilespmem:$0x1F400] =	vst v63  }
0x1e: {  	s4 =	simm.s32 $0x280;
	s5 =	simm.s32 $0xD400  }
0x1f: {  	[tilespmem:s5], [sflag:$0x6] =	stream.indirect.gather [hbm4b:s2+s8], $0x80, s4, s8, $0xb8;
	[tilespmem:$0x1F400] =	vst v63  }
0x20: {  	s7 =	simm.s32 $0x300;
	s9 =	simm.s32 $0xF400  }
0x21: {  	[tilespmem:s9], [sflag:$0x7] =	stream.indirect.gather [hbm4b:s2+s8], $0x80, s7, s8, $0xb8;
	[tilespmem:$0x1F400] =	vst v63  }
0x22: {  	s10 =	simm.s32 $0x380;
	s11 =	simm.s32 $0x11400  }
0x23: {  	[tilespmem:s11], [sflag:$0x8] =	stream.indirect.gather [hbm4b:s2+s8], $0x80, s10, s8, $0xb8;
	[tilespmem:$0x1F400] =	vst v63  }
0x24: {  	s4 =	simm.s32 $0x400;
	s5 =	simm.s32 $0x13400  }
0x25: {  	[tilespmem:s5], [sflag:$0x9] =	stream.indirect.gather [hbm4b:s2+s8], $0x80, s4, s8, $0xb8;
	[tilespmem:$0x1F400] =	vst v63  }
0x26: {  	s5 =	sand.u32 $0xFE, s3  }
0x27: {  	s7 =	simm.s32 $0x480;
	s9 =	simm.s32 $0x15400;
	s0 =	sshrl.u32 s5, $0x1  }
0x28: {  	[tilespmem:s9], [sflag:$0xA] =	stream.indirect.gather [hbm4b:s2+s8], $0x80, s7, s8, $0xb8;
	[tilespmem:$0x1F400] =	vst v63  }
0x29: {  	s10 =	simm.s32 $0x500;
	s11 =	simm.s32 $0x17400;
	s0 =	smul.u32 $0x93, s0  }
0x2a: {  	[tilespmem:s11], [sflag:$0xB] =	stream.indirect.gather [hbm4b:s2+s8], $0x80, s10, s8, $0xb8;
	[tilespmem:$0x1F400] =	vst v63  }
0x2b: {  	s28 =	simm.s32 $0x700;
	s0 =	sshrl.u32 s0, $0xA  }
0x2c: {  	s1 =	simm.s32 $0x580;
	s4 =	simm.s32 $0x19400;
	s0 =	smul.u32 $0xE, s0  }
0x2d: {  	[tilespmem:s4], [sflag:$0xC] =	stream.indirect.gather [hbm4b:s2+s8], $0x80, s1, s8, $0xb8;
	[tilespmem:$0x1F400] =	vst v63  }
0x2e: {  	s7 =	simm.s32 $0x600;
	s4 =	simm.s32 $0x1B400;
	s0 =	ssub.s32 $0x0, s0  }
0x2f: {  	[tilespmem:s4], [sflag:$0xD] =	stream.indirect.gather [hbm4b:s2+s8], $0x80, s7, s8, $0xb8;
	[tilespmem:$0x1F400] =	vst v63  }
0x30: {  	s30 =	simm.s32 $0x1;
	p0 =	por $0x0, $0x0;
	s0 =	sand.u32 $0xFF, s0  }
0x31: {  	s9 =	simm.s32 $0x680;
	s10 =	simm.s32 $0x1D400;
	s31 =	sadd.s32 $0x1, s0  }
0x32: {  	[tilespmem:s10], [sflag:$0xE] =	stream.indirect.gather [hbm4b:s2+s8], $0x80, s9, s8, $0xb8;
	[tilespmem:$0x1F400] =	vst v63  }
0x33: {  	s11 =	sshll.u32 s0, $0xD;
	s9 =	sand.u32 $0xFE, s30;
	_ =	swait.ge [sflag:s31], $0x2000  }
0x34: {  	s10 =	sshrl.u32 s9, $0x1;
	s9 =	sadd.s32 $0xF, s0;
	[sflag:s31] =	ssyncset.done $0x0  }
0x35: {  	s0 =	sadd.s32 $0x3400, s11;
	s10 =	smul.u32 $0x93, s10;
	[sflag:s31] =	ssyncadd.s32 $0xFFFFE000  }
0x36: {  	[hbm4b:s6+s3] =	stream.linear.scatter [tilespmem:s0], [sflag:s9], $0x2000, $0x38;
	[tilespmem:$0x1F400] =	vst v63  }
0x37: {  	s29 =	sadd.s32 $0x400, s6;
	s10 =	sshrl.u32 s10, $0xA;
	_ =	swait.ge @!p0 [sflag:s9], $0x2000  }
0x38: {  	s1 =	simm.s32 $0x2;
	s10 =	smul.u32 $0xE, s10;
	[sflag:s9] =	ssyncset.done @!p0 $0x0  }
.LBB2_2:
0x39: {  	[sflag:s9] =	ssyncadd.s32 @!p0 $0xFFFFE000;
	s11 =	smov.u32 s1;
	s1 =	sadd.s32 $0x1, s1  }
0x3a: {  	s9 =	smov.u32 s28;
	s28 =	sadd.s32 $0x80, s28;
	s4 =	smov.u32 s31  }
0x3b: {  	p1 =	sne.s32 s1, $0x64;
	s10 =	ssub.s32 s30, s10  }
0x3c: {  	s5 =	simm.s32 @!p0 $0x40;
	s10 =	sand.u32 $0xFF, s10  }
0x3d: {  	s7 =	sshll.u32 s10, $0xD;
	s31 =	sadd.s32 $0x1, s10  }
0x3e: {  	[tilespmem:s0], [sflag:s4] =	stream.indirect.gather @!p0 [hbm4b:s2+s5], $0x80, s9, s5, $0xb8;
	[tilespmem:$0x1F400] =	vst v63  }
0x3f: {  	s0 =	sand.u32 $0xFE, s11  }
0x40: {  	p0 =	sgt.u32 s30, $0x55;
	s9 =	sadd.s32 $0xF, s10;
	_ =	swait.ge [sflag:s31], $0x2000  }
.Ltmp0:
0x41: {  	s0 =	sshrl.u32 s0, $0x1;
	[sflag:s31] =	ssyncset.done $0x0;
	(pc) =	sbr.rel @p1 .LBB2_2-.Ltmp0, $4  }
0x42: {  	s4 =	smul.u32 $0x93, s0;
	s0 =	sadd.s32 $0x3400, s7;
	[sflag:s31] =	ssyncadd.s32 $0xFFFFE000  }
0x43: {  	[hbm4b:s29+s3] =	stream.linear.scatter [tilespmem:s0], [sflag:s9], $0x2000, $0x38;
	[tilespmem:$0x1F400] =	vst v63  }
0x44: {  	s30 =	smov.u32 s11;
	s4 =	sshrl.u32 s4, $0xA;
	_ =	swait.ge @!p0 [sflag:s9], $0x2000  }
0x45: {  	s29 =	sadd.s32 $0x400, s29;
	s10 =	smul.u32 $0xE, s4;
	[sflag:s9] =	ssyncset.done @!p0 $0x0  }
0x46: {  	[sflag:s9] =	ssyncadd.s32 @!p0 $0xFFFFE000;
	s1 =	simm.s32 @!p0 $0x40  }
0x47: {  	[tilespmem:s0], [sflag:s31] =	stream.indirect.gather @!p0 [hbm4b:s2+s1], $0x80, s28, s1, $0xb8;
	[tilespmem:$0x1F400] =	vst v63  }
0x48: {  	s11 =	ssub.s32 s30, s10  }
0x49: {  	s0 =	sand.u32 $0xFF, s11  }
0x4a: {  	s1 =	sadd.s32 $0x1, s0  }
0x4b: {  	_ =	swait.ge [sflag:s1], $0x2000  }
0x4c: {  	p0 =	sgt.u32 s30, $0x55;
	s4 =	sshll.u32 s0, $0xD;
	[sflag:s1] =	ssyncset.done $0x0  }
0x4d: {  	s0 =	sadd.s32 $0xF, s0;
	s4 =	sadd.s32 $0x3400, s4;
	[sflag:s1] =	ssyncadd.s32 $0xFFFFE000  }
0x4e: {  	[hbm4b:s29+s3] =	stream.linear.scatter [tilespmem:s4], [sflag:s0], $0x2000, $0x38;
	[tilespmem:$0x1F400] =	vst v63  }
0x4f: {  	_ =	swait.ge @!p0 [sflag:s0], $0x2000  }
0x50: {  	[sflag:s0] =	ssyncset.done @!p0 $0x0  }
0x51: {  	s5 =	sadd.s32 $0x80, s28;
	[sflag:s0] =	ssyncadd.s32 @!p0 $0xFFFFE000;
	s0 =	simm.s32 @!p0 $0x40  }
0x52: {  	[tilespmem:s4], [sflag:s1] =	stream.indirect.gather @!p0 [hbm4b:s2+s0], $0x80, s5, s0, $0xb8;
	[tilespmem:$0x1F400] =	vst v63  }
0x53: {  	_ =	swait.ge [sflag:s12], $0x2000  }
0x54: {  	[sflag:s12] =	ssyncset.done $0x0  }
0x55: {  	[sflag:s12] =	ssyncadd.s32 $0xFFFFE000  }
0x56: {  	_ =	swait.ge [sflag:s13], $0x2000  }
0x57: {  	[sflag:s13] =	ssyncset.done $0x0  }
0x58: {  	[sflag:s13] =	ssyncadd.s32 $0xFFFFE000  }
0x59: {  	_ =	swait.ge [sflag:s14], $0x2000  }
0x5a: {  	[sflag:s14] =	ssyncset.done $0x0  }
0x5b: {  	[sflag:s14] =	ssyncadd.s32 $0xFFFFE000  }
0x5c: {  	_ =	swait.ge [sflag:s15], $0x2000  }
0x5d: {  	[sflag:s15] =	ssyncset.done $0x0  }
0x5e: {  	[sflag:s15] =	ssyncadd.s32 $0xFFFFE000  }
0x5f: {  	_ =	swait.ge [sflag:s16], $0x2000  }
0x60: {  	[sflag:s16] =	ssyncset.done $0x0  }
0x61: {  	[sflag:s16] =	ssyncadd.s32 $0xFFFFE000  }
0x62: {  	_ =	swait.ge [sflag:s17], $0x2000  }
0x63: {  	[sflag:s17] =	ssyncset.done $0x0  }
0x64: {  	[sflag:s17] =	ssyncadd.s32 $0xFFFFE000  }
0x65: {  	_ =	swait.ge [sflag:s18], $0x2000  }
0x66: {  	[sflag:s18] =	ssyncset.done $0x0  }
0x67: {  	[sflag:s18] =	ssyncadd.s32 $0xFFFFE000  }
0x68: {  	_ =	swait.ge [sflag:s19], $0x2000  }
0x69: {  	[sflag:s19] =	ssyncset.done $0x0  }
0x6a: {  	[sflag:s19] =	ssyncadd.s32 $0xFFFFE000  }
0x6b: {  	_ =	swait.ge [sflag:s20], $0x2000  }
0x6c: {  	[sflag:s20] =	ssyncset.done $0x0  }
0x6d: {  	[sflag:s20] =	ssyncadd.s32 $0xFFFFE000  }
0x6e: {  	_ =	swait.ge [sflag:s21], $0x2000  }
0x6f: {  	[sflag:s21] =	ssyncset.done $0x0  }
0x70: {  	[sflag:s21] =	ssyncadd.s32 $0xFFFFE000  }
0x71: {  	_ =	swait.ge [sflag:s22], $0x2000  }
0x72: {  	[sflag:s22] =	ssyncset.done $0x0  }
0x73: {  	[sflag:s22] =	ssyncadd.s32 $0xFFFFE000  }
0x74: {  	_ =	swait.ge [sflag:s23], $0x2000  }
0x75: {  	[sflag:s23] =	ssyncset.done $0x0  }
0x76: {  	[sflag:s23] =	ssyncadd.s32 $0xFFFFE000  }
0x77: {  	_ =	swait.ge [sflag:s24], $0x2000  }
0x78: {  	[sflag:s24] =	ssyncset.done $0x0  }
0x79: {  	[sflag:s24] =	ssyncadd.s32 $0xFFFFE000  }
0x7a: {  	_ =	swait.ge [sflag:s25], $0x2000  }
0x7b: {  	s26 =	sadd.s32 $0x1, s26;
	s31 =	rddreg [dreg:$0x5]  }
0x7c: {  	p0 =	sne.s32 s26, s31  }
.Ltmp1:
0x7d: {  	_ = 	snop;
	(pc) =	sbr.rel @p0 .LBB2_1-.Ltmp1, $3  }
0x7e: {  	_ =	sdelay $0x1  }
0x7f: {  	[sflag:s25] =	ssyncset.done $0x0  }
0x80: {  	[sflag:s25] =	ssyncadd.s32 $0xFFFFE000  }
0x81: {  	_ =	sfence.sel $0x180000  }
0x82: {  	[bflag:$0x0] =	sbarrier.arrive $0xFFFF  }
0x83: {  	_ =	strace $0x90000047  }
0x84: {  	s0 =	stileid.u32;
	[bflag:$0x2] =	sbarrier.arrive $0xFFFF  }
0x85: {  	p0 =	sne.s32 s0, $0x0;
	s0 =	rddreg [dreg:$0x3]  }
0x86: {  	s0 =	sadd.s32 @!p0 $0x100000, s0  }
0x87: {  	[sflag:s0] =	ssyncadd.tile.s32 @!p0 $0x1;
	_ =	shalt  }
.Lfunc_end2:
_tile_overlayer_lowered:
.L_overlay_start_2:
0x88: {  	(tag) =	ssettag $0x2  }
0x89: {  	s0 =	rddreg [dreg:$0x0];
	s2 =	stileid.u32  }
0x8a: {  	s1 =	rddreg [dreg:$0x1];
	p0 =	sne.s32 s2, $0x0  }
0x8b: {  	s3 =	rddreg [dreg:$0x2];
	[bflag:$0x3] =	sbarrier.arrive $0xFFFF;
	s2 =	simm.s32 @!p0 $0x1C1D  }
0x8c: {  	[timem:s3], [sflag:s2] =	dma.local @!p0 [hbm:s0], s1  }
0x8d: {  	s0 =	simm.s32 @!p0 $0x1D  }
0x8e: {  	_ =	swait.ge @!p0 [sflag:s0], s1  }
0x8f: {  	s1 =	ssub.s32 @!p0 $0x0, s1;
	[sflag:s0] =	ssyncset.done @!p0 $0x0  }
0x90: {  	[sflag:s0] =	ssyncadd.s32 @!p0 s1  }
0x91: {  	[bflag:$0x3] =	sbarrier.arrive $0xFFFF  }
0x92: {  	_ =	shalt  }

</sc_bundles>
